<compile_context>
chip_gen: v7x
topology: tpu7x:2x2x1
jax: 0.10.2.dev20260603
libtpu: 0.0.44.dev20260713+nightly
codegen_flags: <defaults>
</compile_context>

<pallas_src>
import functools

import jax
import jax.numpy as jnp
from jax import lax
from jax.experimental import pallas as pl
from jax.experimental.pallas import tpu as pltpu
from jax.experimental.pallas import tpu_sc as plsc

N_TOKENS = 32768
DIM = 1024
NPAIR = DIM // 2

NC = 2
NS = 16
NW = NC * NS
L = 16

SC_ROWS = 8192
TC_ROWS = N_TOKENS - SC_ROWS
BM = 512
ROWS_PER_W = SC_ROWS // NW
T = 16
TS = T // 8
NTILES = ROWS_PER_W // T
NCHUNK = NPAIR // L
NBI = 4
NBO = 2


def _body(x_hbm, i0_hbm, i1_hbm, ja_hbm, jb_hbm, c_hbm, s_hbm, out_hbm,
          xi0, xi1, xi2, xi3, ot0, ot1,
          i0v, i1v, jav, jbv, cv, sv,
          si0, si1, si2, si3, so0, so1):
    wid = lax.axis_index("s") * NC + lax.axis_index("c")
    slab0 = wid * (ROWS_PER_W // 8)
    bufs_in = [xi0, xi1, xi2, xi3]
    sems_in = [si0, si1, si2, si3]
    bufs_out = [ot0, ot1]
    sems_out = [so0, so1]

    pltpu.sync_copy(i0_hbm, i0v)
    pltpu.sync_copy(i1_hbm, i1v)
    pltpu.sync_copy(ja_hbm, jav)
    pltpu.sync_copy(jb_hbm, jbv)
    pltpu.sync_copy(c_hbm, cv)
    pltpu.sync_copy(s_hbm, sv)

    def in_slice(g):
        return x_hbm.at[pl.ds(slab0 + g * TS, TS)]

    def out_slice(g):
        return out_hbm.at[pl.ds(slab0 + g * TS, TS)]

    def compute(xt, ot):
        @plsc.parallel_loop(0, NCHUNK)
        def chunk_body(pc):
            o = pc * L
            i0c = i0v[pl.ds(o, L)]
            i1c = i1v[pl.ds(o, L)]
            jac = jav[pl.ds(o, L)]
            jbc = jbv[pl.ds(o, L)]
            cc = cv[pl.ds(o, L)]
            sc = sv[pl.ds(o, L)]

            @plsc.parallel_loop(0, T, unroll=8)
            def row_body(r):
                tg = jnp.full((L,), r // 8, dtype=jnp.int32)
                ri = jnp.full((L,), r % 8, dtype=jnp.int32)
                xi = plsc.load_gather(xt, [tg, ri, i0c])
                xj = plsc.load_gather(xt, [tg, ri, i1c])
                plsc.store_scatter(ot, [tg, ri, jac], cc * xi - sc * xj)
                plsc.store_scatter(ot, [tg, ri, jbc], cc * xj + sc * xi)

    for b in range(NBI - 1):
        pltpu.async_copy(in_slice(b), bufs_in[b], sems_in[b])

    def quad_body(q, _):
        for b in range(NBI):
            g = NBI * q + b
            pb = (b + NBI - 1) % NBI

            @pl.when(g + NBI - 1 < NTILES)
            def _(g=g, pb=pb):
                pltpu.async_copy(in_slice(g + NBI - 1), bufs_in[pb],
                                 sems_in[pb])

            pltpu.make_async_copy(in_slice(g), bufs_in[b], sems_in[b]).wait()
            ob = b % NBO

            @pl.when(g >= NBO)
            def _(g=g, ob=ob):
                pltpu.make_async_copy(bufs_out[ob], out_slice(g - NBO),
                                      sems_out[ob]).wait()

            compute(bufs_in[b], bufs_out[ob])
            pltpu.async_copy(bufs_out[ob], out_slice(g), sems_out[ob])
        return 0

    lax.fori_loop(0, NTILES // NBI, quad_body, 0)
    pltpu.make_async_copy(bufs_out[0], out_slice(NTILES - 2), sems_out[0]).wait()
    pltpu.make_async_copy(bufs_out[1], out_slice(NTILES - 1), sems_out[1]).wait()


def _tc_body(x_ref, w_ref, y_ref, o_ref):
    del y_ref
    o_ref[...] = jnp.dot(x_ref[...].astype(jnp.bfloat16), w_ref[...],
                         preferred_element_type=jnp.float32)


@jax.jit
def _run(x, tabs, c, s, w):
    mesh = plsc.VectorSubcoreMesh(
        core_axis_name="c", subcore_axis_name="s", num_cores=NC,
        num_subcores=NS)
    f = pl.kernel(
        _body,
        out_type=jax.ShapeDtypeStruct((N_TOKENS // 8, 8, DIM), jnp.float32),
        mesh=mesh,
        compiler_params=pltpu.CompilerParams(needs_layout_passes=False),
        scratch_types=(
            [pltpu.VMEM((TS, 8, DIM), jnp.float32)] * NBI
            + [pltpu.VMEM((TS, 8, DIM), jnp.float32)] * NBO
            + [pltpu.VMEM((NPAIR,), jnp.int32)] * 4
            + [pltpu.VMEM((NPAIR,), jnp.float32)] * 2
            + [pltpu.SemaphoreType.DMA] * (NBI + NBO)
        ),
    )
    x3 = x.reshape(N_TOKENS // 8, 8, DIM)
    sc_out = f(x3, *tabs, c, s).reshape(N_TOKENS, DIM)
    if TC_ROWS == 0:
        return sc_out

    off = SC_ROWS // BM
    out = pl.pallas_call(
        _tc_body,
        grid=(TC_ROWS // BM,),
        in_specs=[
            pl.BlockSpec((BM, DIM), lambda i: (i + off, 0)),
            pl.BlockSpec((DIM, DIM), lambda i: (0, 0)),
            pl.BlockSpec(memory_space=pl.ANY),
        ],
        out_specs=pl.BlockSpec((BM, DIM), lambda i: (i + off, 0)),
        out_shape=jax.ShapeDtypeStruct((N_TOKENS, DIM), jnp.float32),
        input_output_aliases={2: 0},
    )(x, w, sc_out)
    return out


def kernel(x, thetas, inp_pairs, outp_inds):
    c = jnp.cos(thetas)
    s = jnp.sin(thetas)
    i0 = inp_pairs[:, 0]
    i1 = inp_pairs[:, 1]
    inv = jnp.zeros((DIM,), jnp.int32).at[outp_inds].set(
        jnp.arange(DIM, dtype=jnp.int32))
    ja = inv[:NPAIR]
    jb = inv[NPAIR:]

    p = outp_inds % NPAIR
    lo = outp_inds < NPAIR
    ia = jnp.where(lo, i0[p], i1[p])
    ib = jnp.where(lo, i1[p], i0[p])
    av = c[p]
    bv = jnp.where(lo, -s[p], s[p])
    cols = jnp.arange(DIM, dtype=jnp.int32)
    w = (jnp.zeros((DIM, DIM), jnp.float32)
         .at[ia, cols].set(av)
         .at[ib, cols].set(bv)
         .astype(jnp.bfloat16))
    return _run(x, (i0, i1, ja, jb), c, s, w)

# --- scband reference (transcript-rebuilt; emitter-appended) ---
"""Pipeline reference for scband-rotation-54589034332382 (READ-ONLY COPY).

The authoritative reference and input builder live on the scoring server;
editing this copy changes nothing except your own understanding.
"""

import jax, jax.numpy as jnp
import numpy as np

N_TOKENS = 32768
DIM = 1024


def setup_inputs(seed: int = 0) -> dict:
    key = jax.random.key(seed)
    kx, kt = jax.random.split(key)
    x = jax.random.normal(kx, (N_TOKENS, DIM), dtype=jnp.float32)
    # keras 'uniform' initializer default is RandomUniform(-0.05, 0.05)
    thetas = jax.random.uniform(kt, (DIM // 2,), dtype=jnp.float32, minval=-0.05, maxval=0.05)
    rng = np.random.RandomState(0)
    inp_pairs = jnp.asarray(rng.permutation(DIM).reshape(-1, 2), dtype=jnp.int32)
    outp_inds = jnp.asarray(rng.permutation(DIM), dtype=jnp.int32)
    return {"x": x, "thetas": thetas, "inp_pairs": inp_pairs, "outp_inds": outp_inds}


def reference(x, thetas, inp_pairs, outp_inds):
    c = jnp.cos(thetas)
    s = jnp.sin(thetas)
    xi = jnp.take(x, inp_pairs[:, 0], axis=-1)
    xj = jnp.take(x, inp_pairs[:, 1], axis=-1)
    yi = c * xi - s * xj
    yj = c * xj + s * xi
    y = jnp.concatenate([yi, yj], axis=-1)
    return jnp.take(y, outp_inds, axis=-1)

if __name__ == "__main__":
    import jax
    _d = setup_inputs()
    print(jax.jit(kernel)(*tuple(_d.values())))

</pallas_src>

<mosaic_0001>
#map = affine_map<(d0, d1) -> (0, 0, 0)>
#map1 = affine_map<(d0, d1) -> (0)>
module attributes {stable_mosaic.version = 14 : i64} {
  func.func @_body(%arg0: i32, %arg1: i32, %arg2: memref<4096x8x1024xf32, #tpu.memory_space<hbm>>, %arg3: memref<512xi32, #tpu.memory_space<hbm>>, %arg4: memref<512xi32, #tpu.memory_space<hbm>>, %arg5: memref<512xi32, #tpu.memory_space<hbm>>, %arg6: memref<512xi32, #tpu.memory_space<hbm>>, %arg7: memref<512xf32, #tpu.memory_space<hbm>>, %arg8: memref<512xf32, #tpu.memory_space<hbm>>, %arg9: memref<4096x8x1024xf32, #tpu.memory_space<hbm>>, %arg10: memref<2x8x1024xf32, #tpu.memory_space<vmem>>, %arg11: memref<2x8x1024xf32, #tpu.memory_space<vmem>>, %arg12: memref<2x8x1024xf32, #tpu.memory_space<vmem>>, %arg13: memref<2x8x1024xf32, #tpu.memory_space<vmem>>, %arg14: memref<2x8x1024xf32, #tpu.memory_space<vmem>>, %arg15: memref<2x8x1024xf32, #tpu.memory_space<vmem>>, %arg16: memref<512xi32, #tpu.memory_space<vmem>>, %arg17: memref<512xi32, #tpu.memory_space<vmem>>, %arg18: memref<512xi32, #tpu.memory_space<vmem>>, %arg19: memref<512xi32, #tpu.memory_space<vmem>>, %arg20: memref<512xf32, #tpu.memory_space<vmem>>, %arg21: memref<512xf32, #tpu.memory_space<vmem>>, %arg22: memref<!tpu.dma_semaphore, #tpu.memory_space<semaphore_mem>>, %arg23: memref<!tpu.dma_semaphore, #tpu.memory_space<semaphore_mem>>, %arg24: memref<!tpu.dma_semaphore, #tpu.memory_space<semaphore_mem>>, %arg25: memref<!tpu.dma_semaphore, #tpu.memory_space<semaphore_mem>>, %arg26: memref<!tpu.dma_semaphore, #tpu.memory_space<semaphore_mem>>, %arg27: memref<!tpu.dma_semaphore, #tpu.memory_space<semaphore_mem>>) attributes {dimension_semantics = [#tpu.dimension_semantics<core_parallel>, #tpu.dimension_semantics<subcore_parallel>], iteration_bounds = array<i64: 2, 16>, scalar_prefetch = 0 : i64, scratch_operands = 18 : i64, tpu.core_type = #tpu.core_type<sc_vector_subcore>, window_params = [{transform_indices = #map}, {transform_indices = #map1}, {transform_indices = #map1}, {transform_indices = #map1}, {transform_indices = #map1}, {transform_indices = #map1}, {transform_indices = #map1}, {transform_indices = #map}]} {
    %mul3A = arith.constant 2 : i32
    %mul3A_0 = arith.muli %arg1, %mul3A : i32
    %add3A = arith.addi %mul3A_0, %arg0 : i32
    %mul3A_1 = arith.constant 32 : i32
    %mul3A_2 = arith.muli %add3A, %mul3A_1 : i32
    "tpu.region"() ({
      %run_scoped3A = tpu.sem_alloc : memref<!tpu.dma_semaphore, #tpu.memory_space<semaphore_mem>>
      tpu.enqueue_dma source(%arg3 : memref<512xi32, #tpu.memory_space<hbm>>) target(%arg16 : memref<512xi32, #tpu.memory_space<vmem>>) target_semaphore(%run_scoped3A : memref<!tpu.dma_semaphore, #tpu.memory_space<semaphore_mem>>)
      tpu.wait_dma2 semaphore(%run_scoped3A : memref<!tpu.dma_semaphore, #tpu.memory_space<semaphore_mem>>) src(%arg3 : memref<512xi32, #tpu.memory_space<hbm>>) dst(%arg16 : memref<512xi32, #tpu.memory_space<vmem>>)
      tpu.yield
    }) : () -> ()
    "tpu.region"() ({
      %run_scoped3A = tpu.sem_alloc : memref<!tpu.dma_semaphore, #tpu.memory_space<semaphore_mem>>
      tpu.enqueue_dma source(%arg4 : memref<512xi32, #tpu.memory_space<hbm>>) target(%arg17 : memref<512xi32, #tpu.memory_space<vmem>>) target_semaphore(%run_scoped3A : memref<!tpu.dma_semaphore, #tpu.memory_space<semaphore_mem>>)
      tpu.wait_dma2 semaphore(%run_scoped3A : memref<!tpu.dma_semaphore, #tpu.memory_space<semaphore_mem>>) src(%arg4 : memref<512xi32, #tpu.memory_space<hbm>>) dst(%arg17 : memref<512xi32, #tpu.memory_space<vmem>>)
      tpu.yield
    }) : () -> ()
    "tpu.region"() ({
      %run_scoped3A = tpu.sem_alloc : memref<!tpu.dma_semaphore, #tpu.memory_space<semaphore_mem>>
      tpu.enqueue_dma source(%arg5 : memref<512xi32, #tpu.memory_space<hbm>>) target(%arg18 : memref<512xi32, #tpu.memory_space<vmem>>) target_semaphore(%run_scoped3A : memref<!tpu.dma_semaphore, #tpu.memory_space<semaphore_mem>>)
      tpu.wait_dma2 semaphore(%run_scoped3A : memref<!tpu.dma_semaphore, #tpu.memory_space<semaphore_mem>>) src(%arg5 : memref<512xi32, #tpu.memory_space<hbm>>) dst(%arg18 : memref<512xi32, #tpu.memory_space<vmem>>)
      tpu.yield
    }) : () -> ()
    "tpu.region"() ({
      %run_scoped3A = tpu.sem_alloc : memref<!tpu.dma_semaphore, #tpu.memory_space<semaphore_mem>>
      tpu.enqueue_dma source(%arg6 : memref<512xi32, #tpu.memory_space<hbm>>) target(%arg19 : memref<512xi32, #tpu.memory_space<vmem>>) target_semaphore(%run_scoped3A : memref<!tpu.dma_semaphore, #tpu.memory_space<semaphore_mem>>)
      tpu.wait_dma2 semaphore(%run_scoped3A : memref<!tpu.dma_semaphore, #tpu.memory_space<semaphore_mem>>) src(%arg6 : memref<512xi32, #tpu.memory_space<hbm>>) dst(%arg19 : memref<512xi32, #tpu.memory_space<vmem>>)
      tpu.yield
    }) : () -> ()
    "tpu.region"() ({
      %run_scoped3A = tpu.sem_alloc : memref<!tpu.dma_semaphore, #tpu.memory_space<semaphore_mem>>
      tpu.enqueue_dma source(%arg7 : memref<512xf32, #tpu.memory_space<hbm>>) target(%arg20 : memref<512xf32, #tpu.memory_space<vmem>>) target_semaphore(%run_scoped3A : memref<!tpu.dma_semaphore, #tpu.memory_space<semaphore_mem>>)
      tpu.wait_dma2 semaphore(%run_scoped3A : memref<!tpu.dma_semaphore, #tpu.memory_space<semaphore_mem>>) src(%arg7 : memref<512xf32, #tpu.memory_space<hbm>>) dst(%arg20 : memref<512xf32, #tpu.memory_space<vmem>>)
      tpu.yield
    }) : () -> ()
    "tpu.region"() ({
      %run_scoped3A = tpu.sem_alloc : memref<!tpu.dma_semaphore, #tpu.memory_space<semaphore_mem>>
      tpu.enqueue_dma source(%arg8 : memref<512xf32, #tpu.memory_space<hbm>>) target(%arg21 : memref<512xf32, #tpu.memory_space<vmem>>) target_semaphore(%run_scoped3A : memref<!tpu.dma_semaphore, #tpu.memory_space<semaphore_mem>>)
      tpu.wait_dma2 semaphore(%run_scoped3A : memref<!tpu.dma_semaphore, #tpu.memory_space<semaphore_mem>>) src(%arg8 : memref<512xf32, #tpu.memory_space<hbm>>) dst(%arg21 : memref<512xf32, #tpu.memory_space<vmem>>)
      tpu.yield
    }) : () -> ()
    %add3A_3 = arith.constant 0 : i32
    %add3A_4 = arith.addi %mul3A_2, %add3A_3 : i32
    %dma_start3A = arith.constant 0 : i32
    %dma_start3A_5 = arith.constant 0 : i32
    %dma_start3A_6 = tpu.memref_slice %arg2[%add3A_4, %dma_start3A, %dma_start3A_5] : memref<4096x8x1024xf32, #tpu.memory_space<hbm>> -> memref<2x8x1024xf32, #tpu.memory_space<hbm>>
    %dma_start3A_7 = arith.constant 0 : i32
    %dma_start3A_8 = arith.constant 0 : i32
    %dma_start3A_9 = tpu.memref_slice %arg2[%add3A_4, %dma_start3A_7, %dma_start3A_8] : memref<4096x8x1024xf32, #tpu.memory_space<hbm>> -> memref<2x8x1024xf32, #tpu.memory_space<hbm>>
    tpu.enqueue_dma source(%dma_start3A_9 : memref<2x8x1024xf32, #tpu.memory_space<hbm>>) target(%arg10 : memref<2x8x1024xf32, #tpu.memory_space<vmem>>) target_semaphore(%arg22 : memref<!tpu.dma_semaphore, #tpu.memory_space<semaphore_mem>>)
    %add3A_10 = arith.constant 2 : i32
    %add3A_11 = arith.addi %mul3A_2, %add3A_10 : i32
    %dma_start3A_12 = arith.constant 0 : i32
    %dma_start3A_13 = arith.constant 0 : i32
    %dma_start3A_14 = tpu.memref_slice %arg2[%add3A_11, %dma_start3A_12, %dma_start3A_13] : memref<4096x8x1024xf32, #tpu.memory_space<hbm>> -> memref<2x8x1024xf32, #tpu.memory_space<hbm>>
    %dma_start3A_15 = arith.constant 0 : i32
    %dma_start3A_16 = arith.constant 0 : i32
    %dma_start3A_17 = tpu.memref_slice %arg2[%add3A_11, %dma_start3A_15, %dma_start3A_16] : memref<4096x8x1024xf32, #tpu.memory_space<hbm>> -> memref<2x8x1024xf32, #tpu.memory_space<hbm>>
    tpu.enqueue_dma source(%dma_start3A_17 : memref<2x8x1024xf32, #tpu.memory_space<hbm>>) target(%arg11 : memref<2x8x1024xf32, #tpu.memory_space<vmem>>) target_semaphore(%arg23 : memref<!tpu.dma_semaphore, #tpu.memory_space<semaphore_mem>>)
    %add3A_18 = arith.constant 4 : i32
    %add3A_19 = arith.addi %mul3A_2, %add3A_18 : i32
    %dma_start3A_20 = arith.constant 0 : i32
    %dma_start3A_21 = arith.constant 0 : i32
    %dma_start3A_22 = tpu.memref_slice %arg2[%add3A_19, %dma_start3A_20, %dma_start3A_21] : memref<4096x8x1024xf32, #tpu.memory_space<hbm>> -> memref<2x8x1024xf32, #tpu.memory_space<hbm>>
    %dma_start3A_23 = arith.constant 0 : i32
    %dma_start3A_24 = arith.constant 0 : i32
    %dma_start3A_25 = tpu.memref_slice %arg2[%add3A_19, %dma_start3A_23, %dma_start3A_24] : memref<4096x8x1024xf32, #tpu.memory_space<hbm>> -> memref<2x8x1024xf32, #tpu.memory_space<hbm>>
    tpu.enqueue_dma source(%dma_start3A_25 : memref<2x8x1024xf32, #tpu.memory_space<hbm>>) target(%arg12 : memref<2x8x1024xf32, #tpu.memory_space<vmem>>) target_semaphore(%arg24 : memref<!tpu.dma_semaphore, #tpu.memory_space<semaphore_mem>>)
    %scan3A = arith.constant 0 : i32
    %scan3A_26 = arith.constant 0 : i32
    %scan3A_27 = arith.constant 4 : i32
    %scan3A_28 = arith.addi %scan3A_26, %scan3A_27 : i32
    %scan3A_29 = arith.constant 1 : i32
    %scan3A_30 = scf.for %scan3A_47 = %scan3A_26 to %scan3A_28 step %scan3A_29 iter_args(%scan3A_48 = %scan3A) -> (i32)  : i32 {
      %mul3A_49 = arith.constant 4 : i32
      %mul3A_50 = arith.muli %mul3A_49, %scan3A_47 : i32
      %add3A_51 = arith.constant 0 : i32
      %add3A_52 = arith.addi %mul3A_50, %add3A_51 : i32
      %add3A_53 = arith.constant 4 : i32
      %add3A_54 = arith.addi %add3A_52, %add3A_53 : i32
      %sub3A = arith.constant 1 : i32
      %sub3A_55 = arith.subi %add3A_54, %sub3A : i32
      %lt3A = arith.constant 16 : i32
      %lt3A_56 = arith.cmpi slt, %sub3A_55, %lt3A : i32
      %convert_element_type3A = arith.extui %lt3A_56 : i1 to i32
      %cond3A = arith.constant 0 : i32
      %cond3A_57 = arith.cmpi ne, %convert_element_type3A, %cond3A : i32
      scf.if %cond3A_57 {
        %add3A_200 = arith.constant 4 : i32
        %add3A_201 = arith.addi %add3A_52, %add3A_200 : i32
        %sub3A_202 = arith.constant 1 : i32
        %sub3A_203 = arith.subi %add3A_201, %sub3A_202 : i32
        %mul3A_204 = arith.constant 2 : i32
        %mul3A_205 = arith.muli %sub3A_203, %mul3A_204 : i32
        %add3A_206 = arith.addi %mul3A_2, %mul3A_205 : i32
        %dma_start3A_207 = arith.constant 0 : i32
        %dma_start3A_208 = arith.constant 0 : i32
        %dma_start3A_209 = tpu.memref_slice %arg2[%add3A_206, %dma_start3A_207, %dma_start3A_208] : memref<4096x8x1024xf32, #tpu.memory_space<hbm>> -> memref<2x8x1024xf32, #tpu.memory_space<hbm>>
        %dma_start3A_210 = arith.constant 0 : i32
        %dma_start3A_211 = arith.constant 0 : i32
        %dma_start3A_212 = tpu.memref_slice %arg2[%add3A_206, %dma_start3A_210, %dma_start3A_211] : memref<4096x8x1024xf32, #tpu.memory_space<hbm>> -> memref<2x8x1024xf32, #tpu.memory_space<hbm>>
        tpu.enqueue_dma source(%dma_start3A_212 : memref<2x8x1024xf32, #tpu.memory_space<hbm>>) target(%arg13 : memref<2x8x1024xf32, #tpu.memory_space<vmem>>) target_semaphore(%arg25 : memref<!tpu.dma_semaphore, #tpu.memory_space<semaphore_mem>>)
      } else {
      }
      %mul3A_58 = arith.constant 2 : i32
      %mul3A_59 = arith.muli %add3A_52, %mul3A_58 : i32
      %add3A_60 = arith.addi %mul3A_2, %mul3A_59 : i32
      %dma_wait3A_61 = arith.constant 0 : i32
      %dma_wait3A_62 = arith.constant 0 : i32
      %dma_wait3A_63 = tpu.memref_slice %arg2[%add3A_60, %dma_wait3A_61, %dma_wait3A_62] : memref<4096x8x1024xf32, #tpu.memory_space<hbm>> -> memref<2x8x1024xf32, #tpu.memory_space<hbm>>
      %dma_wait3A_64 = arith.constant 0 : i32
      %dma_wait3A_65 = arith.constant 0 : i32
      %dma_wait3A_66 = tpu.memref_slice %arg2[%add3A_60, %dma_wait3A_64, %dma_wait3A_65] : memref<4096x8x1024xf32, #tpu.memory_space<hbm>> -> memref<2x8x1024xf32, #tpu.memory_space<hbm>>
      tpu.wait_dma2 semaphore(%arg22 : memref<!tpu.dma_semaphore, #tpu.memory_space<semaphore_mem>>) src(%dma_wait3A_66 : memref<2x8x1024xf32, #tpu.memory_space<hbm>>) dst(%arg10 : memref<2x8x1024xf32, #tpu.memory_space<vmem>>)
      %ge3A = arith.constant 2 : i32
      %ge3A_67 = arith.cmpi sge, %add3A_52, %ge3A : i32
      %convert_element_type3A_68 = arith.extui %ge3A_67 : i1 to i32
      %cond3A_69 = arith.constant 0 : i32
      %cond3A_70 = arith.cmpi ne, %convert_element_type3A_68, %cond3A_69 : i32
      scf.if %cond3A_70 {
        %sub3A_200 = arith.constant 2 : i32
        %sub3A_201 = arith.subi %add3A_52, %sub3A_200 : i32
        %mul3A_202 = arith.constant 2 : i32
        %mul3A_203 = arith.muli %sub3A_201, %mul3A_202 : i32
        %add3A_204 = arith.addi %mul3A_2, %mul3A_203 : i32
        %dma_wait3A_205 = arith.constant 0 : i32
        %dma_wait3A_206 = arith.constant 0 : i32
        %dma_wait3A_207 = tpu.memref_slice %arg9[%add3A_204, %dma_wait3A_205, %dma_wait3A_206] : memref<4096x8x1024xf32, #tpu.memory_space<hbm>> -> memref<2x8x1024xf32, #tpu.memory_space<hbm>>
        %dma_wait3A_208 = arith.constant 0 : i32
        %dma_wait3A_209 = arith.constant 0 : i32
        %dma_wait3A_210 = tpu.memref_slice %arg9[%add3A_204, %dma_wait3A_208, %dma_wait3A_209] : memref<4096x8x1024xf32, #tpu.memory_space<hbm>> -> memref<2x8x1024xf32, #tpu.memory_space<hbm>>
        tpu.wait_dma2 semaphore(%arg26 : memref<!tpu.dma_semaphore, #tpu.memory_space<semaphore_mem>>) src(%arg14 : memref<2x8x1024xf32, #tpu.memory_space<vmem>>) dst(%dma_wait3A_210 : memref<2x8x1024xf32, #tpu.memory_space<hbm>>)
      } else {
      }
      %parallel_loop3A = arith.constant 0 : i32
      %parallel_loop3A_71 = arith.constant 32 : i32
      %parallel_loop3A_72 = arith.constant 1 : i32
      scf.for %parallel_loop3A_200 = %parallel_loop3A to %parallel_loop3A_71 step %parallel_loop3A_72  : i32 {
        %parallel_loop3A_201 = arith.constant 16 : i32
        %parallel_loop3A_202 = arith.muli %parallel_loop3A_200, %parallel_loop3A_201 : i32
        %parallel_loop3A_203 = arith.index_cast %parallel_loop3A_202 : i32 to index
        %parallel_loop3A_204 = tpu.vector_load %arg16[%parallel_loop3A_203] {strides = array<i32>} : memref<512xi32, #tpu.memory_space<vmem>>, vector<16xi32>,
        %parallel_loop3A_205 = arith.index_cast %parallel_loop3A_202 : i32 to index
        %parallel_loop3A_206 = tpu.vector_load %arg17[%parallel_loop3A_205] {strides = array<i32>} : memref<512xi32, #tpu.memory_space<vmem>>, vector<16xi32>,
        %parallel_loop3A_207 = arith.index_cast %parallel_loop3A_202 : i32 to index
        %parallel_loop3A_208 = tpu.vector_load %arg18[%parallel_loop3A_207] {strides = array<i32>} : memref<512xi32, #tpu.memory_space<vmem>>, vector<16xi32>,
        %parallel_loop3A_209 = arith.index_cast %parallel_loop3A_202 : i32 to index
        %parallel_loop3A_210 = tpu.vector_load %arg19[%parallel_loop3A_209] {strides = array<i32>} : memref<512xi32, #tpu.memory_space<vmem>>, vector<16xi32>,
        %parallel_loop3A_211 = arith.index_cast %parallel_loop3A_202 : i32 to index
        %parallel_loop3A_212 = tpu.vector_load %arg20[%parallel_loop3A_211] {strides = array<i32>} : memref<512xf32, #tpu.memory_space<vmem>>, vector<16xf32>,
        %parallel_loop3A_213 = arith.index_cast %parallel_loop3A_202 : i32 to index
        %parallel_loop3A_214 = tpu.vector_load %arg21[%parallel_loop3A_213] {strides = array<i32>} : memref<512xf32, #tpu.memory_space<vmem>>, vector<16xf32>,
        %parallel_loop3A_215 = arith.constant 0 : i32
        %parallel_loop3A_216 = arith.constant 16 : i32
        %parallel_loop3A_217 = arith.constant 1 : i32
        scf.for %parallel_loop3A_218 = %parallel_loop3A_215 to %parallel_loop3A_216 step %parallel_loop3A_217  : i32 {
          %parallel_loop3A_219 = arith.constant 8 : i32
          %parallel_loop3A_220 = arith.divsi %parallel_loop3A_218, %parallel_loop3A_219 : i32
          %parallel_loop3A_221 = arith.constant 0 : i32
          %parallel_loop3A_222 = arith.cmpi sgt, %parallel_loop3A_218, %parallel_loop3A_221 : i32
          %parallel_loop3A_223 = arith.extui %parallel_loop3A_222 : i1 to i32
          %parallel_loop3A_224 = arith.constant 0 : i32
          %parallel_loop3A_225 = arith.cmpi slt, %parallel_loop3A_218, %parallel_loop3A_224 : i32
          %parallel_loop3A_226 = arith.extui %parallel_loop3A_225 : i1 to i32
          %parallel_loop3A_227 = arith.subi %parallel_loop3A_223, %parallel_loop3A_226 : i32
          %parallel_loop3A_228 = arith.constant 0 : i32
          %parallel_loop3A_229 = arith.cmpi sgt, %parallel_loop3A_219, %parallel_loop3A_228 : i32
          %parallel_loop3A_230 = arith.extui %parallel_loop3A_229 : i1 to i32
          %parallel_loop3A_231 = arith.constant 0 : i32
          %parallel_loop3A_232 = arith.cmpi slt, %parallel_loop3A_219, %parallel_loop3A_231 : i32
          %parallel_loop3A_233 = arith.extui %parallel_loop3A_232 : i1 to i32
          %parallel_loop3A_234 = arith.subi %parallel_loop3A_230, %parallel_loop3A_233 : i32
          %parallel_loop3A_235 = arith.cmpi ne, %parallel_loop3A_227, %parallel_loop3A_234 : i32
          %parallel_loop3A_236 = arith.remsi %parallel_loop3A_218, %parallel_loop3A_219 : i32
          %parallel_loop3A_237 = arith.constant 0 : i32
          %parallel_loop3A_238 = arith.cmpi ne, %parallel_loop3A_236, %parallel_loop3A_237 : i32
          %parallel_loop3A_239 = arith.andi %parallel_loop3A_235, %parallel_loop3A_238 : i1
          %parallel_loop3A_240 = arith.constant 1 : i32
          %parallel_loop3A_241 = arith.subi %parallel_loop3A_220, %parallel_loop3A_240 : i32
          %parallel_loop3A_242 = arith.select %parallel_loop3A_239, %parallel_loop3A_241, %parallel_loop3A_220 : i32
          %parallel_loop3A_243 = vector.broadcast %parallel_loop3A_242 : i32 to vector<16xi32>
          %parallel_loop3A_244 = arith.constant 8 : i32
          %parallel_loop3A_245 = arith.constant 0 : i32
          %parallel_loop3A_246 = arith.cmpi eq, %parallel_loop3A_244, %parallel_loop3A_245 : i32
          %parallel_loop3A_247 = arith.constant 1 : i32
          %parallel_loop3A_248 = arith.select %parallel_loop3A_246, %parallel_loop3A_247, %parallel_loop3A_244 : i32
          %parallel_loop3A_249 = arith.remsi %parallel_loop3A_218, %parallel_loop3A_248 : i32
          %parallel_loop3A_250 = arith.constant 0 : i32
          %parallel_loop3A_251 = arith.cmpi ne, %parallel_loop3A_249, %parallel_loop3A_250 : i32
          %parallel_loop3A_252 = arith.constant 0 : i32
          %parallel_loop3A_253 = arith.cmpi slt, %parallel_loop3A_249, %parallel_loop3A_252 : i32
          %parallel_loop3A_254 = arith.constant 0 : i32
          %parallel_loop3A_255 = arith.cmpi slt, %parallel_loop3A_248, %parallel_loop3A_254 : i32
          %parallel_loop3A_256 = arith.xori %parallel_loop3A_253, %parallel_loop3A_255 : i1
          %parallel_loop3A_257 = arith.andi %parallel_loop3A_256, %parallel_loop3A_251 : i1
          %parallel_loop3A_258 = arith.addi %parallel_loop3A_249, %parallel_loop3A_248 : i32
          %parallel_loop3A_259 = arith.select %parallel_loop3A_257, %parallel_loop3A_258, %parallel_loop3A_249 : i32
          %parallel_loop3A_260 = vector.broadcast %parallel_loop3A_259 : i32 to vector<16xi32>
          %parallel_loop3A_261 = tpu.vector_load_idx %arg10[%parallel_loop3A_243, %parallel_loop3A_260, %parallel_loop3A_204] : memref<2x8x1024xf32, #tpu.memory_space<vmem>>[vector<16xi32>, vector<16xi32>, vector<16xi32>], vector<16xf32>,
          %parallel_loop3A_262 = tpu.vector_load_idx %arg10[%parallel_loop3A_243, %parallel_loop3A_260, %parallel_loop3A_206] : memref<2x8x1024xf32, #tpu.memory_space<vmem>>[vector<16xi32>, vector<16xi32>, vector<16xi32>], vector<16xf32>,
          %parallel_loop3A_263 = arith.mulf %parallel_loop3A_212, %parallel_loop3A_261 : vector<16xf32>
          %parallel_loop3A_264 = arith.mulf %parallel_loop3A_214, %parallel_loop3A_262 : vector<16xf32>
          %parallel_loop3A_265 = arith.subf %parallel_loop3A_263, %parallel_loop3A_264 : vector<16xf32>
          tpu.vector_store_idx %arg14[%parallel_loop3A_243, %parallel_loop3A_260, %parallel_loop3A_208], %parallel_loop3A_265 : memref<2x8x1024xf32, #tpu.memory_space<vmem>>[vector<16xi32>, vector<16xi32>, vector<16xi32>], vector<16xf32>,
          %parallel_loop3A_266 = arith.mulf %parallel_loop3A_212, %parallel_loop3A_262 : vector<16xf32>
          %parallel_loop3A_267 = arith.mulf %parallel_loop3A_214, %parallel_loop3A_261 : vector<16xf32>
          %parallel_loop3A_268 = arith.addf %parallel_loop3A_266, %parallel_loop3A_267 : vector<16xf32>
          tpu.vector_store_idx %arg14[%parallel_loop3A_243, %parallel_loop3A_260, %parallel_loop3A_210], %parallel_loop3A_268 : memref<2x8x1024xf32, #tpu.memory_space<vmem>>[vector<16xi32>, vector<16xi32>, vector<16xi32>], vector<16xf32>,
        } {sc.loop_unroll_factor = 8 : i64, sc.parallel_access}
      } {sc.loop_unroll_factor = 1 : i64, sc.parallel_access}
      %mul3A_73 = arith.constant 2 : i32
      %mul3A_74 = arith.muli %add3A_52, %mul3A_73 : i32
      %add3A_75 = arith.addi %mul3A_2, %mul3A_74 : i32
      %dma_start3A_76 = arith.constant 0 : i32
      %dma_start3A_77 = arith.constant 0 : i32
      %dma_start3A_78 = tpu.memref_slice %arg9[%add3A_75, %dma_start3A_76, %dma_start3A_77] : memref<4096x8x1024xf32, #tpu.memory_space<hbm>> -> memref<2x8x1024xf32, #tpu.memory_space<hbm>>
      %dma_start3A_79 = arith.constant 0 : i32
      %dma_start3A_80 = arith.constant 0 : i32
      %dma_start3A_81 = tpu.memref_slice %arg9[%add3A_75, %dma_start3A_79, %dma_start3A_80] : memref<4096x8x1024xf32, #tpu.memory_space<hbm>> -> memref<2x8x1024xf32, #tpu.memory_space<hbm>>
      tpu.enqueue_dma source(%arg14 : memref<2x8x1024xf32, #tpu.memory_space<vmem>>) target(%dma_start3A_81 : memref<2x8x1024xf32, #tpu.memory_space<hbm>>) target_semaphore(%arg26 : memref<!tpu.dma_semaphore, #tpu.memory_space<semaphore_mem>>)
      %mul3A_82 = arith.constant 4 : i32
      %mul3A_83 = arith.muli %mul3A_82, %scan3A_47 : i32
      %add3A_84 = arith.constant 1 : i32
      %add3A_85 = arith.addi %mul3A_83, %add3A_84 : i32
      %add3A_86 = arith.constant 4 : i32
      %add3A_87 = arith.addi %add3A_85, %add3A_86 : i32
      %sub3A_88 = arith.constant 1 : i32
      %sub3A_89 = arith.subi %add3A_87, %sub3A_88 : i32
      %lt3A_90 = arith.constant 16 : i32
      %lt3A_91 = arith.cmpi slt, %sub3A_89, %lt3A_90 : i32
      %convert_element_type3A_92 = arith.extui %lt3A_91 : i1 to i32
      %cond3A_93 = arith.constant 0 : i32
      %cond3A_94 = arith.cmpi ne, %convert_element_type3A_92, %cond3A_93 : i32
      scf.if %cond3A_94 {
        %add3A_200 = arith.constant 4 : i32
        %add3A_201 = arith.addi %add3A_85, %add3A_200 : i32
        %sub3A_202 = arith.constant 1 : i32
        %sub3A_203 = arith.subi %add3A_201, %sub3A_202 : i32
        %mul3A_204 = arith.constant 2 : i32
        %mul3A_205 = arith.muli %sub3A_203, %mul3A_204 : i32
        %add3A_206 = arith.addi %mul3A_2, %mul3A_205 : i32
        %dma_start3A_207 = arith.constant 0 : i32
        %dma_start3A_208 = arith.constant 0 : i32
        %dma_start3A_209 = tpu.memref_slice %arg2[%add3A_206, %dma_start3A_207, %dma_start3A_208] : memref<4096x8x1024xf32, #tpu.memory_space<hbm>> -> memref<2x8x1024xf32, #tpu.memory_space<hbm>>
        %dma_start3A_210 = arith.constant 0 : i32
        %dma_start3A_211 = arith.constant 0 : i32
        %dma_start3A_212 = tpu.memref_slice %arg2[%add3A_206, %dma_start3A_210, %dma_start3A_211] : memref<4096x8x1024xf32, #tpu.memory_space<hbm>> -> memref<2x8x1024xf32, #tpu.memory_space<hbm>>
        tpu.enqueue_dma source(%dma_start3A_212 : memref<2x8x1024xf32, #tpu.memory_space<hbm>>) target(%arg10 : memref<2x8x1024xf32, #tpu.memory_space<vmem>>) target_semaphore(%arg22 : memref<!tpu.dma_semaphore, #tpu.memory_space<semaphore_mem>>)
      } else {
      }
      %mul3A_95 = arith.constant 2 : i32
      %mul3A_96 = arith.muli %add3A_85, %mul3A_95 : i32
      %add3A_97 = arith.addi %mul3A_2, %mul3A_96 : i32
      %dma_wait3A_98 = arith.constant 0 : i32
      %dma_wait3A_99 = arith.constant 0 : i32
      %dma_wait3A_100 = tpu.memref_slice %arg2[%add3A_97, %dma_wait3A_98, %dma_wait3A_99] : memref<4096x8x1024xf32, #tpu.memory_space<hbm>> -> memref<2x8x1024xf32, #tpu.memory_space<hbm>>
      %dma_wait3A_101 = arith.constant 0 : i32
      %dma_wait3A_102 = arith.constant 0 : i32
      %dma_wait3A_103 = tpu.memref_slice %arg2[%add3A_97, %dma_wait3A_101, %dma_wait3A_102] : memref<4096x8x1024xf32, #tpu.memory_space<hbm>> -> memref<2x8x1024xf32, #tpu.memory_space<hbm>>
      tpu.wait_dma2 semaphore(%arg23 : memref<!tpu.dma_semaphore, #tpu.memory_space<semaphore_mem>>) src(%dma_wait3A_103 : memref<2x8x1024xf32, #tpu.memory_space<hbm>>) dst(%arg11 : memref<2x8x1024xf32, #tpu.memory_space<vmem>>)
      %ge3A_104 = arith.constant 2 : i32
      %ge3A_105 = arith.cmpi sge, %add3A_85, %ge3A_104 : i32
      %convert_element_type3A_106 = arith.extui %ge3A_105 : i1 to i32
      %cond3A_107 = arith.constant 0 : i32
      %cond3A_108 = arith.cmpi ne, %convert_element_type3A_106, %cond3A_107 : i32
      scf.if %cond3A_108 {
        %sub3A_200 = arith.constant 2 : i32
        %sub3A_201 = arith.subi %add3A_85, %sub3A_200 : i32
        %mul3A_202 = arith.constant 2 : i32
        %mul3A_203 = arith.muli %sub3A_201, %mul3A_202 : i32
        %add3A_204 = arith.addi %mul3A_2, %mul3A_203 : i32
        %dma_wait3A_205 = arith.constant 0 : i32
        %dma_wait3A_206 = arith.constant 0 : i32
        %dma_wait3A_207 = tpu.memref_slice %arg9[%add3A_204, %dma_wait3A_205, %dma_wait3A_206] : memref<4096x8x1024xf32, #tpu.memory_space<hbm>> -> memref<2x8x1024xf32, #tpu.memory_space<hbm>>
        %dma_wait3A_208 = arith.constant 0 : i32
        %dma_wait3A_209 = arith.constant 0 : i32
        %dma_wait3A_210 = tpu.memref_slice %arg9[%add3A_204, %dma_wait3A_208, %dma_wait3A_209] : memref<4096x8x1024xf32, #tpu.memory_space<hbm>> -> memref<2x8x1024xf32, #tpu.memory_space<hbm>>
        tpu.wait_dma2 semaphore(%arg27 : memref<!tpu.dma_semaphore, #tpu.memory_space<semaphore_mem>>) src(%arg15 : memref<2x8x1024xf32, #tpu.memory_space<vmem>>) dst(%dma_wait3A_210 : memref<2x8x1024xf32, #tpu.memory_space<hbm>>)
      } else {
      }
      %parallel_loop3A_109 = arith.constant 0 : i32
      %parallel_loop3A_110 = arith.constant 32 : i32
      %parallel_loop3A_111 = arith.constant 1 : i32
      scf.for %parallel_loop3A_200 = %parallel_loop3A_109 to %parallel_loop3A_110 step %parallel_loop3A_111  : i32 {
        %parallel_loop3A_201 = arith.constant 16 : i32
        %parallel_loop3A_202 = arith.muli %parallel_loop3A_200, %parallel_loop3A_201 : i32
        %parallel_loop3A_203 = arith.index_cast %parallel_loop3A_202 : i32 to index
        %parallel_loop3A_204 = tpu.vector_load %arg16[%parallel_loop3A_203] {strides = array<i32>} : memref<512xi32, #tpu.memory_space<vmem>>, vector<16xi32>,
        %parallel_loop3A_205 = arith.index_cast %parallel_loop3A_202 : i32 to index
        %parallel_loop3A_206 = tpu.vector_load %arg17[%parallel_loop3A_205] {strides = array<i32>} : memref<512xi32, #tpu.memory_space<vmem>>, vector<16xi32>,
        %parallel_loop3A_207 = arith.index_cast %parallel_loop3A_202 : i32 to index
        %parallel_loop3A_208 = tpu.vector_load %arg18[%parallel_loop3A_207] {strides = array<i32>} : memref<512xi32, #tpu.memory_space<vmem>>, vector<16xi32>,
        %parallel_loop3A_209 = arith.index_cast %parallel_loop3A_202 : i32 to index
        %parallel_loop3A_210 = tpu.vector_load %arg19[%parallel_loop3A_209] {strides = array<i32>} : memref<512xi32, #tpu.memory_space<vmem>>, vector<16xi32>,
        %parallel_loop3A_211 = arith.index_cast %parallel_loop3A_202 : i32 to index
        %parallel_loop3A_212 = tpu.vector_load %arg20[%parallel_loop3A_211] {strides = array<i32>} : memref<512xf32, #tpu.memory_space<vmem>>, vector<16xf32>,
        %parallel_loop3A_213 = arith.index_cast %parallel_loop3A_202 : i32 to index
        %parallel_loop3A_214 = tpu.vector_load %arg21[%parallel_loop3A_213] {strides = array<i32>} : memref<512xf32, #tpu.memory_space<vmem>>, vector<16xf32>,
        %parallel_loop3A_215 = arith.constant 0 : i32
        %parallel_loop3A_216 = arith.constant 16 : i32
        %parallel_loop3A_217 = arith.constant 1 : i32
        scf.for %parallel_loop3A_218 = %parallel_loop3A_215 to %parallel_loop3A_216 step %parallel_loop3A_217  : i32 {
          %parallel_loop3A_219 = arith.constant 8 : i32
          %parallel_loop3A_220 = arith.divsi %parallel_loop3A_218, %parallel_loop3A_219 : i32
          %parallel_loop3A_221 = arith.constant 0 : i32
          %parallel_loop3A_222 = arith.cmpi sgt, %parallel_loop3A_218, %parallel_loop3A_221 : i32
          %parallel_loop3A_223 = arith.extui %parallel_loop3A_222 : i1 to i32
          %parallel_loop3A_224 = arith.constant 0 : i32
          %parallel_loop3A_225 = arith.cmpi slt, %parallel_loop3A_218, %parallel_loop3A_224 : i32
          %parallel_loop3A_226 = arith.extui %parallel_loop3A_225 : i1 to i32
          %parallel_loop3A_227 = arith.subi %parallel_loop3A_223, %parallel_loop3A_226 : i32
          %parallel_loop3A_228 = arith.constant 0 : i32
          %parallel_loop3A_229 = arith.cmpi sgt, %parallel_loop3A_219, %parallel_loop3A_228 : i32
          %parallel_loop3A_230 = arith.extui %parallel_loop3A_229 : i1 to i32
          %parallel_loop3A_231 = arith.constant 0 : i32
          %parallel_loop3A_232 = arith.cmpi slt, %parallel_loop3A_219, %parallel_loop3A_231 : i32
          %parallel_loop3A_233 = arith.extui %parallel_loop3A_232 : i1 to i32
          %parallel_loop3A_234 = arith.subi %parallel_loop3A_230, %parallel_loop3A_233 : i32
          %parallel_loop3A_235 = arith.cmpi ne, %parallel_loop3A_227, %parallel_loop3A_234 : i32
          %parallel_loop3A_236 = arith.remsi %parallel_loop3A_218, %parallel_loop3A_219 : i32
          %parallel_loop3A_237 = arith.constant 0 : i32
          %parallel_loop3A_238 = arith.cmpi ne, %parallel_loop3A_236, %parallel_loop3A_237 : i32
          %parallel_loop3A_239 = arith.andi %parallel_loop3A_235, %parallel_loop3A_238 : i1
          %parallel_loop3A_240 = arith.constant 1 : i32
          %parallel_loop3A_241 = arith.subi %parallel_loop3A_220, %parallel_loop3A_240 : i32
          %parallel_loop3A_242 = arith.select %parallel_loop3A_239, %parallel_loop3A_241, %parallel_loop3A_220 : i32
          %parallel_loop3A_243 = vector.broadcast %parallel_loop3A_242 : i32 to vector<16xi32>
          %parallel_loop3A_244 = arith.constant 8 : i32
          %parallel_loop3A_245 = arith.constant 0 : i32
          %parallel_loop3A_246 = arith.cmpi eq, %parallel_loop3A_244, %parallel_loop3A_245 : i32
          %parallel_loop3A_247 = arith.constant 1 : i32
          %parallel_loop3A_248 = arith.select %parallel_loop3A_246, %parallel_loop3A_247, %parallel_loop3A_244 : i32
          %parallel_loop3A_249 = arith.remsi %parallel_loop3A_218, %parallel_loop3A_248 : i32
          %parallel_loop3A_250 = arith.constant 0 : i32
          %parallel_loop3A_251 = arith.cmpi ne, %parallel_loop3A_249, %parallel_loop3A_250 : i32
          %parallel_loop3A_252 = arith.constant 0 : i32
          %parallel_loop3A_253 = arith.cmpi slt, %parallel_loop3A_249, %parallel_loop3A_252 : i32
          %parallel_loop3A_254 = arith.constant 0 : i32
          %parallel_loop3A_255 = arith.cmpi slt, %parallel_loop3A_248, %parallel_loop3A_254 : i32
          %parallel_loop3A_256 = arith.xori %parallel_loop3A_253, %parallel_loop3A_255 : i1
          %parallel_loop3A_257 = arith.andi %parallel_loop3A_256, %parallel_loop3A_251 : i1
          %parallel_loop3A_258 = arith.addi %parallel_loop3A_249, %parallel_loop3A_248 : i32
          %parallel_loop3A_259 = arith.select %parallel_loop3A_257, %parallel_loop3A_258, %parallel_loop3A_249 : i32
          %parallel_loop3A_260 = vector.broadcast %parallel_loop3A_259 : i32 to vector<16xi32>
          %parallel_loop3A_261 = tpu.vector_load_idx %arg11[%parallel_loop3A_243, %parallel_loop3A_260, %parallel_loop3A_204] : memref<2x8x1024xf32, #tpu.memory_space<vmem>>[vector<16xi32>, vector<16xi32>, vector<16xi32>], vector<16xf32>,
          %parallel_loop3A_262 = tpu.vector_load_idx %arg11[%parallel_loop3A_243, %parallel_loop3A_260, %parallel_loop3A_206] : memref<2x8x1024xf32, #tpu.memory_space<vmem>>[vector<16xi32>, vector<16xi32>, vector<16xi32>], vector<16xf32>,
          %parallel_loop3A_263 = arith.mulf %parallel_loop3A_212, %parallel_loop3A_261 : vector<16xf32>
          %parallel_loop3A_264 = arith.mulf %parallel_loop3A_214, %parallel_loop3A_262 : vector<16xf32>
          %parallel_loop3A_265 = arith.subf %parallel_loop3A_263, %parallel_loop3A_264 : vector<16xf32>
          tpu.vector_store_idx %arg15[%parallel_loop3A_243, %parallel_loop3A_260, %parallel_loop3A_208], %parallel_loop3A_265 : memref<2x8x1024xf32, #tpu.memory_space<vmem>>[vector<16xi32>, vector<16xi32>, vector<16xi32>], vector<16xf32>,
          %parallel_loop3A_266 = arith.mulf %parallel_loop3A_212, %parallel_loop3A_262 : vector<16xf32>
          %parallel_loop3A_267 = arith.mulf %parallel_loop3A_214, %parallel_loop3A_261 : vector<16xf32>
          %parallel_loop3A_268 = arith.addf %parallel_loop3A_266, %parallel_loop3A_267 : vector<16xf32>
          tpu.vector_store_idx %arg15[%parallel_loop3A_243, %parallel_loop3A_260, %parallel_loop3A_210], %parallel_loop3A_268 : memref<2x8x1024xf32, #tpu.memory_space<vmem>>[vector<16xi32>, vector<16xi32>, vector<16xi32>], vector<16xf32>,
        } {sc.loop_unroll_factor = 8 : i64, sc.parallel_access}
      } {sc.loop_unroll_factor = 1 : i64, sc.parallel_access}
      %mul3A_112 = arith.constant 2 : i32
      %mul3A_113 = arith.muli %add3A_85, %mul3A_112 : i32
      %add3A_114 = arith.addi %mul3A_2, %mul3A_113 : i32
      %dma_start3A_115 = arith.constant 0 : i32
      %dma_start3A_116 = arith.constant 0 : i32
      %dma_start3A_117 = tpu.memref_slice %arg9[%add3A_114, %dma_start3A_115, %dma_start3A_116] : memref<4096x8x1024xf32, #tpu.memory_space<hbm>> -> memref<2x8x1024xf32, #tpu.memory_space<hbm>>
      %dma_start3A_118 = arith.constant 0 : i32
      %dma_start3A_119 = arith.constant 0 : i32
      %dma_start3A_120 = tpu.memref_slice %arg9[%add3A_114, %dma_start3A_118, %dma_start3A_119] : memref<4096x8x1024xf32, #tpu.memory_space<hbm>> -> memref<2x8x1024xf32, #tpu.memory_space<hbm>>
      tpu.enqueue_dma source(%arg15 : memref<2x8x1024xf32, #tpu.memory_space<vmem>>) target(%dma_start3A_120 : memref<2x8x1024xf32, #tpu.memory_space<hbm>>) target_semaphore(%arg27 : memref<!tpu.dma_semaphore, #tpu.memory_space<semaphore_mem>>)
      %mul3A_121 = arith.constant 4 : i32
      %mul3A_122 = arith.muli %mul3A_121, %scan3A_47 : i32
      %add3A_123 = arith.constant 2 : i32
      %add3A_124 = arith.addi %mul3A_122, %add3A_123 : i32
      %add3A_125 = arith.constant 4 : i32
      %add3A_126 = arith.addi %add3A_124, %add3A_125 : i32
      %sub3A_127 = arith.constant 1 : i32
      %sub3A_128 = arith.subi %add3A_126, %sub3A_127 : i32
      %lt3A_129 = arith.constant 16 : i32
      %lt3A_130 = arith.cmpi slt, %sub3A_128, %lt3A_129 : i32
      %convert_element_type3A_131 = arith.extui %lt3A_130 : i1 to i32
      %cond3A_132 = arith.constant 0 : i32
      %cond3A_133 = arith.cmpi ne, %convert_element_type3A_131, %cond3A_132 : i32
      scf.if %cond3A_133 {
        %add3A_200 = arith.constant 4 : i32
        %add3A_201 = arith.addi %add3A_124, %add3A_200 : i32
        %sub3A_202 = arith.constant 1 : i32
        %sub3A_203 = arith.subi %add3A_201, %sub3A_202 : i32
        %mul3A_204 = arith.constant 2 : i32
        %mul3A_205 = arith.muli %sub3A_203, %mul3A_204 : i32
        %add3A_206 = arith.addi %mul3A_2, %mul3A_205 : i32
        %dma_start3A_207 = arith.constant 0 : i32
        %dma_start3A_208 = arith.constant 0 : i32
        %dma_start3A_209 = tpu.memref_slice %arg2[%add3A_206, %dma_start3A_207, %dma_start3A_208] : memref<4096x8x1024xf32, #tpu.memory_space<hbm>> -> memref<2x8x1024xf32, #tpu.memory_space<hbm>>
        %dma_start3A_210 = arith.constant 0 : i32
        %dma_start3A_211 = arith.constant 0 : i32
        %dma_start3A_212 = tpu.memref_slice %arg2[%add3A_206, %dma_start3A_210, %dma_start3A_211] : memref<4096x8x1024xf32, #tpu.memory_space<hbm>> -> memref<2x8x1024xf32, #tpu.memory_space<hbm>>
        tpu.enqueue_dma source(%dma_start3A_212 : memref<2x8x1024xf32, #tpu.memory_space<hbm>>) target(%arg11 : memref<2x8x1024xf32, #tpu.memory_space<vmem>>) target_semaphore(%arg23 : memref<!tpu.dma_semaphore, #tpu.memory_space<semaphore_mem>>)
      } else {
      }
      %mul3A_134 = arith.constant 2 : i32
      %mul3A_135 = arith.muli %add3A_124, %mul3A_134 : i32
      %add3A_136 = arith.addi %mul3A_2, %mul3A_135 : i32
      %dma_wait3A_137 = arith.constant 0 : i32
      %dma_wait3A_138 = arith.constant 0 : i32
      %dma_wait3A_139 = tpu.memref_slice %arg2[%add3A_136, %dma_wait3A_137, %dma_wait3A_138] : memref<4096x8x1024xf32, #tpu.memory_space<hbm>> -> memref<2x8x1024xf32, #tpu.memory_space<hbm>>
      %dma_wait3A_140 = arith.constant 0 : i32
      %dma_wait3A_141 = arith.constant 0 : i32
      %dma_wait3A_142 = tpu.memref_slice %arg2[%add3A_136, %dma_wait3A_140, %dma_wait3A_141] : memref<4096x8x1024xf32, #tpu.memory_space<hbm>> -> memref<2x8x1024xf32, #tpu.memory_space<hbm>>
      tpu.wait_dma2 semaphore(%arg24 : memref<!tpu.dma_semaphore, #tpu.memory_space<semaphore_mem>>) src(%dma_wait3A_142 : memref<2x8x1024xf32, #tpu.memory_space<hbm>>) dst(%arg12 : memref<2x8x1024xf32, #tpu.memory_space<vmem>>)
      %ge3A_143 = arith.constant 2 : i32
      %ge3A_144 = arith.cmpi sge, %add3A_124, %ge3A_143 : i32
      %convert_element_type3A_145 = arith.extui %ge3A_144 : i1 to i32
      %cond3A_146 = arith.constant 0 : i32
      %cond3A_147 = arith.cmpi ne, %convert_element_type3A_145, %cond3A_146 : i32
      scf.if %cond3A_147 {
        %sub3A_200 = arith.constant 2 : i32
        %sub3A_201 = arith.subi %add3A_124, %sub3A_200 : i32
        %mul3A_202 = arith.constant 2 : i32
        %mul3A_203 = arith.muli %sub3A_201, %mul3A_202 : i32
        %add3A_204 = arith.addi %mul3A_2, %mul3A_203 : i32
        %dma_wait3A_205 = arith.constant 0 : i32
        %dma_wait3A_206 = arith.constant 0 : i32
        %dma_wait3A_207 = tpu.memref_slice %arg9[%add3A_204, %dma_wait3A_205, %dma_wait3A_206] : memref<4096x8x1024xf32, #tpu.memory_space<hbm>> -> memref<2x8x1024xf32, #tpu.memory_space<hbm>>
        %dma_wait3A_208 = arith.constant 0 : i32
        %dma_wait3A_209 = arith.constant 0 : i32
        %dma_wait3A_210 = tpu.memref_slice %arg9[%add3A_204, %dma_wait3A_208, %dma_wait3A_209] : memref<4096x8x1024xf32, #tpu.memory_space<hbm>> -> memref<2x8x1024xf32, #tpu.memory_space<hbm>>
        tpu.wait_dma2 semaphore(%arg26 : memref<!tpu.dma_semaphore, #tpu.memory_space<semaphore_mem>>) src(%arg14 : memref<2x8x1024xf32, #tpu.memory_space<vmem>>) dst(%dma_wait3A_210 : memref<2x8x1024xf32, #tpu.memory_space<hbm>>)
      } else {
      }
      %parallel_loop3A_148 = arith.constant 0 : i32
      %parallel_loop3A_149 = arith.constant 32 : i32
      %parallel_loop3A_150 = arith.constant 1 : i32
      scf.for %parallel_loop3A_200 = %parallel_loop3A_148 to %parallel_loop3A_149 step %parallel_loop3A_150  : i32 {
        %parallel_loop3A_201 = arith.constant 16 : i32
        %parallel_loop3A_202 = arith.muli %parallel_loop3A_200, %parallel_loop3A_201 : i32
        %parallel_loop3A_203 = arith.index_cast %parallel_loop3A_202 : i32 to index
        %parallel_loop3A_204 = tpu.vector_load %arg16[%parallel_loop3A_203] {strides = array<i32>} : memref<512xi32, #tpu.memory_space<vmem>>, vector<16xi32>,
        %parallel_loop3A_205 = arith.index_cast %parallel_loop3A_202 : i32 to index
        %parallel_loop3A_206 = tpu.vector_load %arg17[%parallel_loop3A_205] {strides = array<i32>} : memref<512xi32, #tpu.memory_space<vmem>>, vector<16xi32>,
        %parallel_loop3A_207 = arith.index_cast %parallel_loop3A_202 : i32 to index
        %parallel_loop3A_208 = tpu.vector_load %arg18[%parallel_loop3A_207] {strides = array<i32>} : memref<512xi32, #tpu.memory_space<vmem>>, vector<16xi32>,
        %parallel_loop3A_209 = arith.index_cast %parallel_loop3A_202 : i32 to index
        %parallel_loop3A_210 = tpu.vector_load %arg19[%parallel_loop3A_209] {strides = array<i32>} : memref<512xi32, #tpu.memory_space<vmem>>, vector<16xi32>,
        %parallel_loop3A_211 = arith.index_cast %parallel_loop3A_202 : i32 to index
        %parallel_loop3A_212 = tpu.vector_load %arg20[%parallel_loop3A_211] {strides = array<i32>} : memref<512xf32, #tpu.memory_space<vmem>>, vector<16xf32>,
        %parallel_loop3A_213 = arith.index_cast %parallel_loop3A_202 : i32 to index
        %parallel_loop3A_214 = tpu.vector_load %arg21[%parallel_loop3A_213] {strides = array<i32>} : memref<512xf32, #tpu.memory_space<vmem>>, vector<16xf32>,
        %parallel_loop3A_215 = arith.constant 0 : i32
        %parallel_loop3A_216 = arith.constant 16 : i32
        %parallel_loop3A_217 = arith.constant 1 : i32
        scf.for %parallel_loop3A_218 = %parallel_loop3A_215 to %parallel_loop3A_216 step %parallel_loop3A_217  : i32 {
          %parallel_loop3A_219 = arith.constant 8 : i32
          %parallel_loop3A_220 = arith.divsi %parallel_loop3A_218, %parallel_loop3A_219 : i32
          %parallel_loop3A_221 = arith.constant 0 : i32
          %parallel_loop3A_222 = arith.cmpi sgt, %parallel_loop3A_218, %parallel_loop3A_221 : i32
          %parallel_loop3A_223 = arith.extui %parallel_loop3A_222 : i1 to i32
          %parallel_loop3A_224 = arith.constant 0 : i32
          %parallel_loop3A_225 = arith.cmpi slt, %parallel_loop3A_218, %parallel_loop3A_224 : i32
          %parallel_loop3A_226 = arith.extui %parallel_loop3A_225 : i1 to i32
          %parallel_loop3A_227 = arith.subi %parallel_loop3A_223, %parallel_loop3A_226 : i32
          %parallel_loop3A_228 = arith.constant 0 : i32
          %parallel_loop3A_229 = arith.cmpi sgt, %parallel_loop3A_219, %parallel_loop3A_228 : i32
          %parallel_loop3A_230 = arith.extui %parallel_loop3A_229 : i1 to i32
          %parallel_loop3A_231 = arith.constant 0 : i32
          %parallel_loop3A_232 = arith.cmpi slt, %parallel_loop3A_219, %parallel_loop3A_231 : i32
          %parallel_loop3A_233 = arith.extui %parallel_loop3A_232 : i1 to i32
          %parallel_loop3A_234 = arith.subi %parallel_loop3A_230, %parallel_loop3A_233 : i32
          %parallel_loop3A_235 = arith.cmpi ne, %parallel_loop3A_227, %parallel_loop3A_234 : i32
          %parallel_loop3A_236 = arith.remsi %parallel_loop3A_218, %parallel_loop3A_219 : i32
          %parallel_loop3A_237 = arith.constant 0 : i32
          %parallel_loop3A_238 = arith.cmpi ne, %parallel_loop3A_236, %parallel_loop3A_237 : i32
          %parallel_loop3A_239 = arith.andi %parallel_loop3A_235, %parallel_loop3A_238 : i1
          %parallel_loop3A_240 = arith.constant 1 : i32
          %parallel_loop3A_241 = arith.subi %parallel_loop3A_220, %parallel_loop3A_240 : i32
          %parallel_loop3A_242 = arith.select %parallel_loop3A_239, %parallel_loop3A_241, %parallel_loop3A_220 : i32
          %parallel_loop3A_243 = vector.broadcast %parallel_loop3A_242 : i32 to vector<16xi32>
          %parallel_loop3A_244 = arith.constant 8 : i32
          %parallel_loop3A_245 = arith.constant 0 : i32
          %parallel_loop3A_246 = arith.cmpi eq, %parallel_loop3A_244, %parallel_loop3A_245 : i32
          %parallel_loop3A_247 = arith.constant 1 : i32
          %parallel_loop3A_248 = arith.select %parallel_loop3A_246, %parallel_loop3A_247, %parallel_loop3A_244 : i32
          %parallel_loop3A_249 = arith.remsi %parallel_loop3A_218, %parallel_loop3A_248 : i32
          %parallel_loop3A_250 = arith.constant 0 : i32
          %parallel_loop3A_251 = arith.cmpi ne, %parallel_loop3A_249, %parallel_loop3A_250 : i32
          %parallel_loop3A_252 = arith.constant 0 : i32
          %parallel_loop3A_253 = arith.cmpi slt, %parallel_loop3A_249, %parallel_loop3A_252 : i32
          %parallel_loop3A_254 = arith.constant 0 : i32
          %parallel_loop3A_255 = arith.cmpi slt, %parallel_loop3A_248, %parallel_loop3A_254 : i32
          %parallel_loop3A_256 = arith.xori %parallel_loop3A_253, %parallel_loop3A_255 : i1
          %parallel_loop3A_257 = arith.andi %parallel_loop3A_256, %parallel_loop3A_251 : i1
          %parallel_loop3A_258 = arith.addi %parallel_loop3A_249, %parallel_loop3A_248 : i32
          %parallel_loop3A_259 = arith.select %parallel_loop3A_257, %parallel_loop3A_258, %parallel_loop3A_249 : i32
          %parallel_loop3A_260 = vector.broadcast %parallel_loop3A_259 : i32 to vector<16xi32>
          %parallel_loop3A_261 = tpu.vector_load_idx %arg12[%parallel_loop3A_243, %parallel_loop3A_260, %parallel_loop3A_204] : memref<2x8x1024xf32, #tpu.memory_space<vmem>>[vector<16xi32>, vector<16xi32>, vector<16xi32>], vector<16xf32>,
          %parallel_loop3A_262 = tpu.vector_load_idx %arg12[%parallel_loop3A_243, %parallel_loop3A_260, %parallel_loop3A_206] : memref<2x8x1024xf32, #tpu.memory_space<vmem>>[vector<16xi32>, vector<16xi32>, vector<16xi32>], vector<16xf32>,
          %parallel_loop3A_263 = arith.mulf %parallel_loop3A_212, %parallel_loop3A_261 : vector<16xf32>
          %parallel_loop3A_264 = arith.mulf %parallel_loop3A_214, %parallel_loop3A_262 : vector<16xf32>
          %parallel_loop3A_265 = arith.subf %parallel_loop3A_263, %parallel_loop3A_264 : vector<16xf32>
          tpu.vector_store_idx %arg14[%parallel_loop3A_243, %parallel_loop3A_260, %parallel_loop3A_208], %parallel_loop3A_265 : memref<2x8x1024xf32, #tpu.memory_space<vmem>>[vector<16xi32>, vector<16xi32>, vector<16xi32>], vector<16xf32>,
          %parallel_loop3A_266 = arith.mulf %parallel_loop3A_212, %parallel_loop3A_262 : vector<16xf32>
          %parallel_loop3A_267 = arith.mulf %parallel_loop3A_214, %parallel_loop3A_261 : vector<16xf32>
          %parallel_loop3A_268 = arith.addf %parallel_loop3A_266, %parallel_loop3A_267 : vector<16xf32>
          tpu.vector_store_idx %arg14[%parallel_loop3A_243, %parallel_loop3A_260, %parallel_loop3A_210], %parallel_loop3A_268 : memref<2x8x1024xf32, #tpu.memory_space<vmem>>[vector<16xi32>, vector<16xi32>, vector<16xi32>], vector<16xf32>,
        } {sc.loop_unroll_factor = 8 : i64, sc.parallel_access}
      } {sc.loop_unroll_factor = 1 : i64, sc.parallel_access}
      %mul3A_151 = arith.constant 2 : i32
      %mul3A_152 = arith.muli %add3A_124, %mul3A_151 : i32
      %add3A_153 = arith.addi %mul3A_2, %mul3A_152 : i32
      %dma_start3A_154 = arith.constant 0 : i32
      %dma_start3A_155 = arith.constant 0 : i32
      %dma_start3A_156 = tpu.memref_slice %arg9[%add3A_153, %dma_start3A_154, %dma_start3A_155] : memref<4096x8x1024xf32, #tpu.memory_space<hbm>> -> memref<2x8x1024xf32, #tpu.memory_space<hbm>>
      %dma_start3A_157 = arith.constant 0 : i32
      %dma_start3A_158 = arith.constant 0 : i32
      %dma_start3A_159 = tpu.memref_slice %arg9[%add3A_153, %dma_start3A_157, %dma_start3A_158] : memref<4096x8x1024xf32, #tpu.memory_space<hbm>> -> memref<2x8x1024xf32, #tpu.memory_space<hbm>>
      tpu.enqueue_dma source(%arg14 : memref<2x8x1024xf32, #tpu.memory_space<vmem>>) target(%dma_start3A_159 : memref<2x8x1024xf32, #tpu.memory_space<hbm>>) target_semaphore(%arg26 : memref<!tpu.dma_semaphore, #tpu.memory_space<semaphore_mem>>)
      %mul3A_160 = arith.constant 4 : i32
      %mul3A_161 = arith.muli %mul3A_160, %scan3A_47 : i32
      %add3A_162 = arith.constant 3 : i32
      %add3A_163 = arith.addi %mul3A_161, %add3A_162 : i32
      %add3A_164 = arith.constant 4 : i32
      %add3A_165 = arith.addi %add3A_163, %add3A_164 : i32
      %sub3A_166 = arith.constant 1 : i32
      %sub3A_167 = arith.subi %add3A_165, %sub3A_166 : i32
      %lt3A_168 = arith.constant 16 : i32
      %lt3A_169 = arith.cmpi slt, %sub3A_167, %lt3A_168 : i32
      %convert_element_type3A_170 = arith.extui %lt3A_169 : i1 to i32
      %cond3A_171 = arith.constant 0 : i32
      %cond3A_172 = arith.cmpi ne, %convert_element_type3A_170, %cond3A_171 : i32
      scf.if %cond3A_172 {
        %add3A_200 = arith.constant 4 : i32
        %add3A_201 = arith.addi %add3A_163, %add3A_200 : i32
        %sub3A_202 = arith.constant 1 : i32
        %sub3A_203 = arith.subi %add3A_201, %sub3A_202 : i32
        %mul3A_204 = arith.constant 2 : i32
        %mul3A_205 = arith.muli %sub3A_203, %mul3A_204 : i32
        %add3A_206 = arith.addi %mul3A_2, %mul3A_205 : i32
        %dma_start3A_207 = arith.constant 0 : i32
        %dma_start3A_208 = arith.constant 0 : i32
        %dma_start3A_209 = tpu.memref_slice %arg2[%add3A_206, %dma_start3A_207, %dma_start3A_208] : memref<4096x8x1024xf32, #tpu.memory_space<hbm>> -> memref<2x8x1024xf32, #tpu.memory_space<hbm>>
        %dma_start3A_210 = arith.constant 0 : i32
        %dma_start3A_211 = arith.constant 0 : i32
        %dma_start3A_212 = tpu.memref_slice %arg2[%add3A_206, %dma_start3A_210, %dma_start3A_211] : memref<4096x8x1024xf32, #tpu.memory_space<hbm>> -> memref<2x8x1024xf32, #tpu.memory_space<hbm>>
        tpu.enqueue_dma source(%dma_start3A_212 : memref<2x8x1024xf32, #tpu.memory_space<hbm>>) target(%arg12 : memref<2x8x1024xf32, #tpu.memory_space<vmem>>) target_semaphore(%arg24 : memref<!tpu.dma_semaphore, #tpu.memory_space<semaphore_mem>>)
      } else {
      }
      %mul3A_173 = arith.constant 2 : i32
      %mul3A_174 = arith.muli %add3A_163, %mul3A_173 : i32
      %add3A_175 = arith.addi %mul3A_2, %mul3A_174 : i32
      %dma_wait3A_176 = arith.constant 0 : i32
      %dma_wait3A_177 = arith.constant 0 : i32
      %dma_wait3A_178 = tpu.memref_slice %arg2[%add3A_175, %dma_wait3A_176, %dma_wait3A_177] : memref<4096x8x1024xf32, #tpu.memory_space<hbm>> -> memref<2x8x1024xf32, #tpu.memory_space<hbm>>
      %dma_wait3A_179 = arith.constant 0 : i32
      %dma_wait3A_180 = arith.constant 0 : i32
      %dma_wait3A_181 = tpu.memref_slice %arg2[%add3A_175, %dma_wait3A_179, %dma_wait3A_180] : memref<4096x8x1024xf32, #tpu.memory_space<hbm>> -> memref<2x8x1024xf32, #tpu.memory_space<hbm>>
      tpu.wait_dma2 semaphore(%arg25 : memref<!tpu.dma_semaphore, #tpu.memory_space<semaphore_mem>>) src(%dma_wait3A_181 : memref<2x8x1024xf32, #tpu.memory_space<hbm>>) dst(%arg13 : memref<2x8x1024xf32, #tpu.memory_space<vmem>>)
      %ge3A_182 = arith.constant 2 : i32
      %ge3A_183 = arith.cmpi sge, %add3A_163, %ge3A_182 : i32
      %convert_element_type3A_184 = arith.extui %ge3A_183 : i1 to i32
      %cond3A_185 = arith.constant 0 : i32
      %cond3A_186 = arith.cmpi ne, %convert_element_type3A_184, %cond3A_185 : i32
      scf.if %cond3A_186 {
        %sub3A_200 = arith.constant 2 : i32
        %sub3A_201 = arith.subi %add3A_163, %sub3A_200 : i32
        %mul3A_202 = arith.constant 2 : i32
        %mul3A_203 = arith.muli %sub3A_201, %mul3A_202 : i32
        %add3A_204 = arith.addi %mul3A_2, %mul3A_203 : i32
        %dma_wait3A_205 = arith.constant 0 : i32
        %dma_wait3A_206 = arith.constant 0 : i32
        %dma_wait3A_207 = tpu.memref_slice %arg9[%add3A_204, %dma_wait3A_205, %dma_wait3A_206] : memref<4096x8x1024xf32, #tpu.memory_space<hbm>> -> memref<2x8x1024xf32, #tpu.memory_space<hbm>>
        %dma_wait3A_208 = arith.constant 0 : i32
        %dma_wait3A_209 = arith.constant 0 : i32
        %dma_wait3A_210 = tpu.memref_slice %arg9[%add3A_204, %dma_wait3A_208, %dma_wait3A_209] : memref<4096x8x1024xf32, #tpu.memory_space<hbm>> -> memref<2x8x1024xf32, #tpu.memory_space<hbm>>
        tpu.wait_dma2 semaphore(%arg27 : memref<!tpu.dma_semaphore, #tpu.memory_space<semaphore_mem>>) src(%arg15 : memref<2x8x1024xf32, #tpu.memory_space<vmem>>) dst(%dma_wait3A_210 : memref<2x8x1024xf32, #tpu.memory_space<hbm>>)
      } else {
      }
      %parallel_loop3A_187 = arith.constant 0 : i32
      %parallel_loop3A_188 = arith.constant 32 : i32
      %parallel_loop3A_189 = arith.constant 1 : i32
      scf.for %parallel_loop3A_200 = %parallel_loop3A_187 to %parallel_loop3A_188 step %parallel_loop3A_189  : i32 {
        %parallel_loop3A_201 = arith.constant 16 : i32
        %parallel_loop3A_202 = arith.muli %parallel_loop3A_200, %parallel_loop3A_201 : i32
        %parallel_loop3A_203 = arith.index_cast %parallel_loop3A_202 : i32 to index
        %parallel_loop3A_204 = tpu.vector_load %arg16[%parallel_loop3A_203] {strides = array<i32>} : memref<512xi32, #tpu.memory_space<vmem>>, vector<16xi32>,
        %parallel_loop3A_205 = arith.index_cast %parallel_loop3A_202 : i32 to index
        %parallel_loop3A_206 = tpu.vector_load %arg17[%parallel_loop3A_205] {strides = array<i32>} : memref<512xi32, #tpu.memory_space<vmem>>, vector<16xi32>,
        %parallel_loop3A_207 = arith.index_cast %parallel_loop3A_202 : i32 to index
        %parallel_loop3A_208 = tpu.vector_load %arg18[%parallel_loop3A_207] {strides = array<i32>} : memref<512xi32, #tpu.memory_space<vmem>>, vector<16xi32>,
        %parallel_loop3A_209 = arith.index_cast %parallel_loop3A_202 : i32 to index
        %parallel_loop3A_210 = tpu.vector_load %arg19[%parallel_loop3A_209] {strides = array<i32>} : memref<512xi32, #tpu.memory_space<vmem>>, vector<16xi32>,
        %parallel_loop3A_211 = arith.index_cast %parallel_loop3A_202 : i32 to index
        %parallel_loop3A_212 = tpu.vector_load %arg20[%parallel_loop3A_211] {strides = array<i32>} : memref<512xf32, #tpu.memory_space<vmem>>, vector<16xf32>,
        %parallel_loop3A_213 = arith.index_cast %parallel_loop3A_202 : i32 to index
        %parallel_loop3A_214 = tpu.vector_load %arg21[%parallel_loop3A_213] {strides = array<i32>} : memref<512xf32, #tpu.memory_space<vmem>>, vector<16xf32>,
        %parallel_loop3A_215 = arith.constant 0 : i32
        %parallel_loop3A_216 = arith.constant 16 : i32
        %parallel_loop3A_217 = arith.constant 1 : i32
        scf.for %parallel_loop3A_218 = %parallel_loop3A_215 to %parallel_loop3A_216 step %parallel_loop3A_217  : i32 {
          %parallel_loop3A_219 = arith.constant 8 : i32
          %parallel_loop3A_220 = arith.divsi %parallel_loop3A_218, %parallel_loop3A_219 : i32
          %parallel_loop3A_221 = arith.constant 0 : i32
          %parallel_loop3A_222 = arith.cmpi sgt, %parallel_loop3A_218, %parallel_loop3A_221 : i32
          %parallel_loop3A_223 = arith.extui %parallel_loop3A_222 : i1 to i32
          %parallel_loop3A_224 = arith.constant 0 : i32
          %parallel_loop3A_225 = arith.cmpi slt, %parallel_loop3A_218, %parallel_loop3A_224 : i32
          %parallel_loop3A_226 = arith.extui %parallel_loop3A_225 : i1 to i32
          %parallel_loop3A_227 = arith.subi %parallel_loop3A_223, %parallel_loop3A_226 : i32
          %parallel_loop3A_228 = arith.constant 0 : i32
          %parallel_loop3A_229 = arith.cmpi sgt, %parallel_loop3A_219, %parallel_loop3A_228 : i32
          %parallel_loop3A_230 = arith.extui %parallel_loop3A_229 : i1 to i32
          %parallel_loop3A_231 = arith.constant 0 : i32
          %parallel_loop3A_232 = arith.cmpi slt, %parallel_loop3A_219, %parallel_loop3A_231 : i32
          %parallel_loop3A_233 = arith.extui %parallel_loop3A_232 : i1 to i32
          %parallel_loop3A_234 = arith.subi %parallel_loop3A_230, %parallel_loop3A_233 : i32
          %parallel_loop3A_235 = arith.cmpi ne, %parallel_loop3A_227, %parallel_loop3A_234 : i32
          %parallel_loop3A_236 = arith.remsi %parallel_loop3A_218, %parallel_loop3A_219 : i32
          %parallel_loop3A_237 = arith.constant 0 : i32
          %parallel_loop3A_238 = arith.cmpi ne, %parallel_loop3A_236, %parallel_loop3A_237 : i32
          %parallel_loop3A_239 = arith.andi %parallel_loop3A_235, %parallel_loop3A_238 : i1
          %parallel_loop3A_240 = arith.constant 1 : i32
          %parallel_loop3A_241 = arith.subi %parallel_loop3A_220, %parallel_loop3A_240 : i32
          %parallel_loop3A_242 = arith.select %parallel_loop3A_239, %parallel_loop3A_241, %parallel_loop3A_220 : i32
          %parallel_loop3A_243 = vector.broadcast %parallel_loop3A_242 : i32 to vector<16xi32>
          %parallel_loop3A_244 = arith.constant 8 : i32
          %parallel_loop3A_245 = arith.constant 0 : i32
          %parallel_loop3A_246 = arith.cmpi eq, %parallel_loop3A_244, %parallel_loop3A_245 : i32
          %parallel_loop3A_247 = arith.constant 1 : i32
          %parallel_loop3A_248 = arith.select %parallel_loop3A_246, %parallel_loop3A_247, %parallel_loop3A_244 : i32
          %parallel_loop3A_249 = arith.remsi %parallel_loop3A_218, %parallel_loop3A_248 : i32
          %parallel_loop3A_250 = arith.constant 0 : i32
          %parallel_loop3A_251 = arith.cmpi ne, %parallel_loop3A_249, %parallel_loop3A_250 : i32
          %parallel_loop3A_252 = arith.constant 0 : i32
          %parallel_loop3A_253 = arith.cmpi slt, %parallel_loop3A_249, %parallel_loop3A_252 : i32
          %parallel_loop3A_254 = arith.constant 0 : i32
          %parallel_loop3A_255 = arith.cmpi slt, %parallel_loop3A_248, %parallel_loop3A_254 : i32
          %parallel_loop3A_256 = arith.xori %parallel_loop3A_253, %parallel_loop3A_255 : i1
          %parallel_loop3A_257 = arith.andi %parallel_loop3A_256, %parallel_loop3A_251 : i1
          %parallel_loop3A_258 = arith.addi %parallel_loop3A_249, %parallel_loop3A_248 : i32
          %parallel_loop3A_259 = arith.select %parallel_loop3A_257, %parallel_loop3A_258, %parallel_loop3A_249 : i32
          %parallel_loop3A_260 = vector.broadcast %parallel_loop3A_259 : i32 to vector<16xi32>
          %parallel_loop3A_261 = tpu.vector_load_idx %arg13[%parallel_loop3A_243, %parallel_loop3A_260, %parallel_loop3A_204] : memref<2x8x1024xf32, #tpu.memory_space<vmem>>[vector<16xi32>, vector<16xi32>, vector<16xi32>], vector<16xf32>,
          %parallel_loop3A_262 = tpu.vector_load_idx %arg13[%parallel_loop3A_243, %parallel_loop3A_260, %parallel_loop3A_206] : memref<2x8x1024xf32, #tpu.memory_space<vmem>>[vector<16xi32>, vector<16xi32>, vector<16xi32>], vector<16xf32>,
          %parallel_loop3A_263 = arith.mulf %parallel_loop3A_212, %parallel_loop3A_261 : vector<16xf32>
          %parallel_loop3A_264 = arith.mulf %parallel_loop3A_214, %parallel_loop3A_262 : vector<16xf32>
          %parallel_loop3A_265 = arith.subf %parallel_loop3A_263, %parallel_loop3A_264 : vector<16xf32>
          tpu.vector_store_idx %arg15[%parallel_loop3A_243, %parallel_loop3A_260, %parallel_loop3A_208], %parallel_loop3A_265 : memref<2x8x1024xf32, #tpu.memory_space<vmem>>[vector<16xi32>, vector<16xi32>, vector<16xi32>], vector<16xf32>,
          %parallel_loop3A_266 = arith.mulf %parallel_loop3A_212, %parallel_loop3A_262 : vector<16xf32>
          %parallel_loop3A_267 = arith.mulf %parallel_loop3A_214, %parallel_loop3A_261 : vector<16xf32>
          %parallel_loop3A_268 = arith.addf %parallel_loop3A_266, %parallel_loop3A_267 : vector<16xf32>
          tpu.vector_store_idx %arg15[%parallel_loop3A_243, %parallel_loop3A_260, %parallel_loop3A_210], %parallel_loop3A_268 : memref<2x8x1024xf32, #tpu.memory_space<vmem>>[vector<16xi32>, vector<16xi32>, vector<16xi32>], vector<16xf32>,
        } {sc.loop_unroll_factor = 8 : i64, sc.parallel_access}
      } {sc.loop_unroll_factor = 1 : i64, sc.parallel_access}
      %mul3A_190 = arith.constant 2 : i32
      %mul3A_191 = arith.muli %add3A_163, %mul3A_190 : i32
      %add3A_192 = arith.addi %mul3A_2, %mul3A_191 : i32
      %dma_start3A_193 = arith.constant 0 : i32
      %dma_start3A_194 = arith.constant 0 : i32
      %dma_start3A_195 = tpu.memref_slice %arg9[%add3A_192, %dma_start3A_193, %dma_start3A_194] : memref<4096x8x1024xf32, #tpu.memory_space<hbm>> -> memref<2x8x1024xf32, #tpu.memory_space<hbm>>
      %dma_start3A_196 = arith.constant 0 : i32
      %dma_start3A_197 = arith.constant 0 : i32
      %dma_start3A_198 = tpu.memref_slice %arg9[%add3A_192, %dma_start3A_196, %dma_start3A_197] : memref<4096x8x1024xf32, #tpu.memory_space<hbm>> -> memref<2x8x1024xf32, #tpu.memory_space<hbm>>
      tpu.enqueue_dma source(%arg15 : memref<2x8x1024xf32, #tpu.memory_space<vmem>>) target(%dma_start3A_198 : memref<2x8x1024xf32, #tpu.memory_space<hbm>>) target_semaphore(%arg27 : memref<!tpu.dma_semaphore, #tpu.memory_space<semaphore_mem>>)
      %scan3A_199 = arith.constant 0 : i32
      scf.yield %scan3A_199 : i32
    }
    %scan3A_31 = arith.constant 4 : i32
    %add3A_32 = arith.constant 28 : i32
    %add3A_33 = arith.addi %mul3A_2, %add3A_32 : i32
    %dma_wait3A = arith.constant 0 : i32
    %dma_wait3A_34 = arith.constant 0 : i32
    %dma_wait3A_35 = tpu.memref_slice %arg9[%add3A_33, %dma_wait3A, %dma_wait3A_34] : memref<4096x8x1024xf32, #tpu.memory_space<hbm>> -> memref<2x8x1024xf32, #tpu.memory_space<hbm>>
    %dma_wait3A_36 = arith.constant 0 : i32
    %dma_wait3A_37 = arith.constant 0 : i32
    %dma_wait3A_38 = tpu.memref_slice %arg9[%add3A_33, %dma_wait3A_36, %dma_wait3A_37] : memref<4096x8x1024xf32, #tpu.memory_space<hbm>> -> memref<2x8x1024xf32, #tpu.memory_space<hbm>>
    tpu.wait_dma2 semaphore(%arg26 : memref<!tpu.dma_semaphore, #tpu.memory_space<semaphore_mem>>) src(%arg14 : memref<2x8x1024xf32, #tpu.memory_space<vmem>>) dst(%dma_wait3A_38 : memref<2x8x1024xf32, #tpu.memory_space<hbm>>)
    %add3A_39 = arith.constant 30 : i32
    %add3A_40 = arith.addi %mul3A_2, %add3A_39 : i32
    %dma_wait3A_41 = arith.constant 0 : i32
    %dma_wait3A_42 = arith.constant 0 : i32
    %dma_wait3A_43 = tpu.memref_slice %arg9[%add3A_40, %dma_wait3A_41, %dma_wait3A_42] : memref<4096x8x1024xf32, #tpu.memory_space<hbm>> -> memref<2x8x1024xf32, #tpu.memory_space<hbm>>
    %dma_wait3A_44 = arith.constant 0 : i32
    %dma_wait3A_45 = arith.constant 0 : i32
    %dma_wait3A_46 = tpu.memref_slice %arg9[%add3A_40, %dma_wait3A_44, %dma_wait3A_45] : memref<4096x8x1024xf32, #tpu.memory_space<hbm>> -> memref<2x8x1024xf32, #tpu.memory_space<hbm>>
    tpu.wait_dma2 semaphore(%arg27 : memref<!tpu.dma_semaphore, #tpu.memory_space<semaphore_mem>>) src(%arg15 : memref<2x8x1024xf32, #tpu.memory_space<vmem>>) dst(%dma_wait3A_46 : memref<2x8x1024xf32, #tpu.memory_space<hbm>>)
    return
  }
}

module attributes {stable_mosaic.version = 14 : i64} {
  func.func @_tc_body(%arg0: i32, %arg1: memref<512x1024xf32, #tpu.memory_space<vmem>>, %arg2: memref<1024x1024xbf16, #tpu.memory_space<vmem>>, %arg3: memref<32768x1024xf32, #tpu.memory_space<any>>, %arg4: memref<512x1024xf32, #tpu.memory_space<vmem>>) attributes {dimension_semantics = [#tpu.dimension_semantics<arbitrary>], iteration_bounds = array<i64: 48>, scalar_prefetch = 0 : i64, scratch_operands = 0 : i64, tpu.core_type = #tpu.core_type<tc>, window_params = [{transform_indices = @transform_0, window_bounds = array<i64: 512, 1024>}, {pipeline_mode = #tpu.pipeline_mode<synchronous>, transform_indices = @transform_1, window_bounds = array<i64: 1024, 1024>}, {}, {transform_indices = @transform_3, window_bounds = array<i64: 512, 1024>}]} {
    %get3A = arith.constant 0 : index
    %get3A_0 = arith.constant 0 : index
    %get3A_1 = vector.load %arg1[%get3A, %get3A_0] : memref<512x1024xf32, #tpu.memory_space<vmem>>, vector<512x1024xf32>
    %convert_element_type3A = arith.truncf %get3A_1 : vector<512x1024xf32> to vector<512x1024xbf16>
    %get3A_2 = arith.constant 0 : index
    %get3A_3 = arith.constant 0 : index
    %get3A_4 = vector.load %arg2[%get3A_2, %get3A_3] : memref<1024x1024xbf16, #tpu.memory_space<vmem>>, vector<1024x1024xbf16>
    %dot_general3A = arith.constant dense<0.000000e+00> : vector<512x1024xf32>
    %dot_general3A_5 = tpu.matmul %convert_element_type3A, %get3A_4, %dot_general3A {dimension_numbers = #tpu.dot_dimension_numbers<[1], [0], [0], [1], [0, 0, 1, 1], [], []>, transpose_lhs_hint = false} : vector<512x1024xbf16>, vector<1024x1024xbf16>, vector<512x1024xf32> -> vector<512x1024xf32>
    %swap3A = arith.constant 0 : index
    %swap3A_6 = arith.constant 0 : index
    %swap3A_7 = vector.load %arg4[%swap3A, %swap3A_6] : memref<512x1024xf32, #tpu.memory_space<vmem>>, vector<512x1024xf32>
    tpu.vector_store %arg4[%swap3A, %swap3A_6], %dot_general3A_5 {strides = array<i32>} : memref<512x1024xf32, #tpu.memory_space<vmem>>, vector<512x1024xf32>,
    return
  }
  func.func @transform_0(%arg0: i32) -> (i32, i32) {
    %add3A = arith.constant 16 : i32
    %add3A_0 = arith.addi %arg0, %add3A : i32
    %c0_i32 = arith.constant 0 : i32
    %c0_i32_1 = arith.constant 0 : i32
    return %add3A_0, %c0_i32 : i32, i32
  }
  func.func @transform_1(%arg0: i32) -> (i32, i32) {
    %c0_i32 = arith.constant 0 : i32
    %c0_i32_0 = arith.constant 0 : i32
    %c0_i32_1 = arith.constant 0 : i32
    return %c0_i32, %c0_i32_0 : i32, i32
  }
  func.func @transform_3(%arg0: i32) -> (i32, i32) {
    %add3A = arith.constant 16 : i32
    %add3A_0 = arith.addi %arg0, %add3A : i32
    %c0_i32 = arith.constant 0 : i32
    %c0_i32_1 = arith.constant 0 : i32
    return %add3A_0, %c0_i32 : i32, i32
  }
}

</mosaic_0001>

<sc_bundles>
// kernel: _run.4.cloned.1.call-start
scs
__scs_entry_jumppad:
0x0: {  	(pc) =	sbr.rel $0x88, $3  }
0x1: {  	(tag) =	ssettag $0x0;
	lr =	simm.s32 $0x1  }
0x2: {  	[smem:$0x3F99] =	sst lr;
	_ =	strace $0xD0000000  }
0x3: {  	_ = 	snop  }
0x4: {  	_ = 	snop  }
0x5: {  	_ = 	snop  }
0x6: {  	_ = 	snop  }
0x7: {  	_ = 	snop  }
__scs_overlays_trampoline_lowered:
0x8: {  	[smem:$0x3FA8] =	sst s0  }
0x9: {  	[smem:$0x3FA9] =	sst s1  }
0xa: {  	[smem:$0x3FAA] =	sst s2  }
0xb: {  	[smem:$0x3FAB] =	sst s3  }
0xc: {  	[smem:$0x3FAC] =	sst s4  }
0xd: {  	[smem:$0x3FAD] =	sst s5  }
0xe: {  	[smem:$0x3FAE] =	sst s6  }
0xf: {  	[smem:$0x3FAF] =	sst s7  }
0x10: {  	[smem:$0x3FB0] =	sst s8  }
0x11: {  	[smem:$0x3FB1] =	sst s9;
	s0 =	simm.s32 @!p0 $0x0  }
0x12: {  	s1 =	sld [smem:$0x3F97];
	s0 =	simm.s32 @p0 $0x1  }
0x13: {  	[smem:$0x3FB2] =	sst s0;
	s0 =	simm.s32 @!p1 $0x0  }
0x14: {  	s2 =	sld [smem:$0x3F96];
	s0 =	simm.s32 @p1 $0x1  }
0x15: {  	[smem:$0x3FB3] =	sst s0;
	s0 =	simm.s32 @!p2 $0x0  }
0x16: {  	s3 =	sld [smem:$0x3FDB];
	s0 =	simm.s32 @p2 $0x1  }
0x17: {  	s4 =	simm.s32 $0x1BF5;
	[smem:$0x3FB5] =	sst s0  }
0x18: {  	s0 =	sld [smem:$0x3F98];
	_ =	swait.ge [sflag:s4], $0x0  }
0x19: {  	s7 =	sld [smem:$0x3F99]  }
0x1a: {  	s8 =	sadd.s32 $0xFFFFE003, lr  }
0x1b: {  	s9 =	sadd.s32 $0xFFFFFEF7, lr;
	s5 =	simm.s32 $0xFFFFFFFF;
	p2 =	slt.u32 s8, $0xFFFFF086  }
0x1c: {  	p1 =	slt.u32 s9, $0xF7A;
	s5 =	simm.s32 @!p2 $0x0  }
0x1d: {  	s5 =	simm.s32 @p1 $0x1;
	p0 =	seq.s32 s7, s2  }
0x1e: {  	s7 =	smul.u32 @!p0 $0xF7A, s2;
	p2 =	seq.s32 @!p0 s5, $0x0  }
0x1f: {  	s9 =	smul.u32 $0xF7A, s1;
	s8 =	simm.s32 @!p0 $0x1BF5;
	p2 =	por !p2, p0  }
0x20: {  	[sflag:s8] =	ssyncset.s32 @!p0 $0xFFFFF086;
	s6 =	sadd.s32 @!p0 s3, s7;
	s7 =	simm.s32 @!p0 $0x108  }
0x21: {  	s3 =	sadd.s32 s3, s9;
	s6 =	sadd.s32 @!p0 $0x88, s6;
	s7 =	simm.s32 @p2 $0x1082  }
0x22: {  	[simem:s7], [sflag:s8] =	dma.local @!p0 [hbm:s6], $0xF7A  }
0x23: {  	s9 =	sor.u32 $0xD0000000, s2;
	s6 =	simm.s32 $0x108;
	_ =	swait.ge @!p0 [sflag:s8], $0x0  }
0x24: {  	s3 =	sadd.s32 $0x88, s3;
	s6 =	simm.s32 @!p1 $0x1082;
	[sflag:s4] =	ssyncset.s32 $0xFFFFF086  }
0x25: {  	[simem:s6], [sflag:s4] =	dma.local [hbm:s3], $0xF7A  }
0x26: {  	[smem:$0x3F99] =	sst s1;
	(tag) =	ssettag s2;
	_ =	strace s9  }
0x27: {  	s1 =	sld [smem:$0x3FA9]  }
0x28: {  	s2 =	sld [smem:$0x3FAA]  }
0x29: {  	s4 =	sld [smem:$0x3FAC]  }
0x2a: {  	p0 =	seq.s32 s5, $0x0;
	s5 =	sld [smem:$0x3FAD]  }
0x2b: {  	s6 =	sld [smem:$0x3FAE]  }
0x2c: {  	s7 =	sld [smem:$0x3FAF]  }
0x2d: {  	s3 =	simm.s32 $0x108;
	s8 =	sld [smem:$0x3FB0]  }
0x2e: {  	s3 =	simm.s32 @!p0 $0x1082;
	s9 =	sld [smem:$0x3FB1]  }
0x2f: {  	lr =	sadd.s32 s0, s3;
	s0 =	sld [smem:$0x3FA8]  }
0x30: {  	s3 =	sld [smem:$0x3FAB]  }
0x31: {  	[smem:$0x3FB4] =	sst s10  }
0x32: {  	s10 =	sld [smem:$0x3FB2];
	_ =	sdelay $0x3  }
0x33: {  	p0 =	seq.s32 s10, $0x1;
	s10 =	sld [smem:$0x3FB4];
	_ =	sdelay $0x3  }
0x34: {  	[smem:$0x3FB4] =	sst s10  }
0x35: {  	s10 =	sld [smem:$0x3FB3];
	_ =	sdelay $0x3  }
0x36: {  	p1 =	seq.s32 s10, $0x1;
	s10 =	sld [smem:$0x3FB4];
	_ =	sdelay $0x3  }
0x37: {  	[smem:$0x3FB4] =	sst s10  }
0x38: {  	s10 =	sld [smem:$0x3FB5]  }
0x39: {  	_ = 	snop;
	(pc) =	sbr.ind lr, $3  }
0x3a: {  	_ = 	snop  }
0x3b: {  	_ = 	snop  }
0x3c: {  	p2 =	seq.s32 s10, $0x1;
	s10 =	sld [smem:$0x3FB4]  }
0x3d: {  	_ =	shalt  }
0x3e: {  	_ =	shalt  }
0x3f: {  	_ =	shalt  }
0x40: {  	_ =	shalt  }
0x41: {  	_ =	shalt  }
0x42: {  	_ =	shalt  }
0x43: {  	_ =	shalt  }
0x44: {  	_ =	shalt  }
0x45: {  	_ =	shalt  }
0x46: {  	_ =	shalt  }
0x47: {  	_ =	shalt  }
0x48: {  	_ =	shalt  }
0x49: {  	_ =	shalt  }
0x4a: {  	_ =	shalt  }
0x4b: {  	_ =	shalt  }
0x4c: {  	_ =	shalt  }
0x4d: {  	_ =	shalt  }
0x4e: {  	_ =	shalt  }
0x4f: {  	_ =	shalt  }
0x50: {  	_ =	shalt  }
0x51: {  	_ =	shalt  }
0x52: {  	_ =	shalt  }
0x53: {  	_ =	shalt  }
0x54: {  	_ =	shalt  }
0x55: {  	_ =	shalt  }
0x56: {  	_ =	shalt  }
0x57: {  	_ =	shalt  }
0x58: {  	_ =	shalt  }
0x59: {  	_ =	shalt  }
0x5a: {  	_ =	shalt  }
0x5b: {  	_ =	shalt  }
0x5c: {  	_ =	shalt  }
0x5d: {  	_ =	shalt  }
0x5e: {  	_ =	shalt  }
0x5f: {  	_ =	shalt  }
0x60: {  	_ =	shalt  }
0x61: {  	_ =	shalt  }
0x62: {  	_ =	shalt  }
0x63: {  	_ =	shalt  }
0x64: {  	_ =	shalt  }
0x65: {  	_ =	shalt  }
0x66: {  	_ =	shalt  }
0x67: {  	_ =	shalt  }
0x68: {  	_ =	shalt  }
0x69: {  	_ =	shalt  }
0x6a: {  	_ =	shalt  }
0x6b: {  	_ =	shalt  }
0x6c: {  	_ =	shalt  }
0x6d: {  	_ =	shalt  }
0x6e: {  	_ =	shalt  }
0x6f: {  	_ =	shalt  }
0x70: {  	_ =	shalt  }
0x71: {  	_ =	shalt  }
0x72: {  	_ =	shalt  }
0x73: {  	_ =	shalt  }
0x74: {  	_ =	shalt  }
0x75: {  	_ =	shalt  }
0x76: {  	_ =	shalt  }
0x77: {  	_ =	shalt  }
0x78: {  	_ =	shalt  }
0x79: {  	_ =	shalt  }
0x7a: {  	_ =	shalt  }
0x7b: {  	_ =	shalt  }
0x7c: {  	_ =	shalt  }
0x7d: {  	_ =	shalt  }
0x7e: {  	_ =	shalt  }
0x7f: {  	_ =	shalt  }
0x80: {  	_ =	shalt  }
0x81: {  	_ =	shalt  }
0x82: {  	_ =	shalt  }
0x83: {  	_ =	shalt  }
0x84: {  	_ =	shalt  }
0x85: {  	_ =	shalt  }
0x86: {  	_ =	shalt  }
0x87: {  	_ =	shalt  }
.Lfunc_end0:
.L_simem_size_0:
called_computation_lowered:
.L_overlay_start_0:
0x88: {  	s2 =	sld [smem:$0x3FD9]  }
0x89: {  	s3 =	sld [smem:$0x3FFE];
	_ =	sdelay $0x1  }
0x8a: {  	s1 =	srdreg.scid  }
0x8b: {  	s0 =	sand.u32 $0x1, s1  }
0x8c: {  	s18 =	sshll.u32 s0, $0xA;
	s2 =	sadd.s32 s3, s2  }
0x8d: {  	s2 =	sadd.s32 s2, s18  }
0x8e: {  	[smem:$0x3FC0] =	sst s2  }
0x8f: {  	_ = 	snop  }
0x90: {  	s2 =	sld [smem:$0x3FC9]  }
0x91: {  	s19 =	sld [smem:$0x3FC8]  }
0x92: {  	s4 =	sld [smem:$0x3FC7]  }
0x93: {  	s5 =	sld [smem:$0x3FC6]  }
0x94: {  	s6 =	sld [smem:$0x3FC5]  }
0x95: {  	s7 =	sld [smem:$0x3FC4]  }
0x96: {  	s8 =	sld [smem:$0x3FC3]  }
0x97: {  	s9 =	sld [smem:$0x3FD0];
	(tm) =	ssettm $0x1  }
0x98: {  	s10 =	sld [smem:$0x3FFB];
	_ =	sdelay $0x3  }
0x99: {  	_ =	strace s10  }
0x9a: {  	s10 =	sld [smem:$0x3FFC];
	_ =	sdelay $0x3  }
0x9b: {  	_ =	strace s10  }
0x9c: {  	s10 =	sld [smem:$0x3FFD];
	_ =	sdelay $0x3  }
0x9d: {  	_ =	strace s10  }
0x9e: {  	_ =	strace $0x8FFFFFFF  }
0x9f: {  	s20 =	sld [smem:$0x3FDB];
	_ =	sdelay $0x1  }
0xa0: {  	s11 =	simm.s32 $_scs_section_size  }
0xa1: {  	s12 =	simm.s32 $_size__tile_overlayer_lowered;
	s13 =	simm.s32 $_tile_overlayer_lowered  }
0xa2: {  	s23 =	simm.s32 $0x1BFF;
	s22 =	sshll.u32 s13, $0x1;
	s10 =	sadd.s32 s11, s20  }
0xa3: {  	s14 =	simm.s32 $0x0;
	s21 =	sshll.u32 s12, $0x1;
	s12 =	sadd.s32 s22, s10  }
0xa4: {  	[timem:s14], [sflag:s23] =	dma.local [hbm:s12], s21  }
0xa5: {  	_ =	swait.ge [sflag:s23], s21  }
0xa6: {  	s11 =	ssub.s32 $0x0, s21;
	[sflag:s23] =	ssyncset.done $0x0  }
0xa7: {  	[sflag:s23] =	ssyncadd.s32 s11;
	_ =	sdelay $0x1  }
0xa8: {  	s24 =	simm.s32 $0x1B8B  }
0xa9: {  	_ =	swait.ge [sflag:s24], $0x1  }
0xaa: {  	[sflag:s24] =	ssyncset.done $0x0  }
0xab: {  	s25 =	simm.s32 $0x1B8E;
	[sflag:s24] =	ssyncadd.s32 $0xFFFFFFFF  }
0xac: {  	s26 =	simm.s32 $execute0_lowered;
	[smem:$0x3FD2] =	sst s25  }
0xad: {  	s11 =	sshll.u32 s26, $0x1;
	_ =	strace $0x80000046;
	[dreg:$0x1] =	wrdreg $0xFFFFFFFF  }
0xae: {  	s28 =	simm.s32 $_size_execute0_lowered;
	s10 =	sadd.s32 s10, s11;
	[dreg:$0x0] =	wrdreg $0x0  }
0xaf: {  	s11 =	sshll.u32 s28, $0x1;
	[dreg:$0x2] =	wrdreg s10  }
0xb0: {  	[dreg:$0x3] =	wrdreg s11  }
0xb1: {  	[dreg:$0x4] =	wrdreg $0xC0  }
0xb2: {  	_ =	task [dreg:s14], $0x5FFFF  }
0xb3: {  	[dreg:$0x1] =	wrdreg $0xFFFFFFFF  }
0xb4: {  	[dreg:$0x0] =	wrdreg $0x60  }
0xb5: {  	[dreg:$0x2] =	wrdreg s2  }
0xb6: {  	[dreg:$0x3] =	wrdreg s19  }
0xb7: {  	[dreg:$0x4] =	wrdreg s4  }
0xb8: {  	[dreg:$0x5] =	wrdreg s5  }
0xb9: {  	[dreg:$0x6] =	wrdreg s6  }
0xba: {  	[dreg:$0x7] =	wrdreg s7  }
0xbb: {  	[dreg:$0x8] =	wrdreg s8  }
0xbc: {  	[dreg:$0x9] =	wrdreg s9  }
0xbd: {  	[dreg:$0xa] =	wrdreg $0x9  }
0xbe: {  	_ =	task.clear_ibuf [dreg:s14], $0xBFFFF;
	_ =	strace $0x90000046  }
0xbf: {  	s29 =	simm.s32 $0x9;
	_ =	strace $0x80000048  }
0xc0: {  	_ =	swait.ge [sflag:s29], $0x1  }
0xc1: {  	[sflag:s29] =	ssyncadd.s32 $0xFFFFFFFF  }
0xc2: {  	_ =	strace $0x90000048  }
0xc3: {  	_ =	sfence  }
0xc4: {  	s30 =	sld [smem:$0x0];
	_ =	sdelay $0x2  }
0xc5: {  	s31 =	sshll.u32 s1, $0xD;
	s1 =	sshrl.u32 s1, $0x2  }
0xc6: {  	s3 =	sand.u32 $0x4000, s31;
	s1 =	sadd.s32 s1, s30  }
0xc7: {  	s0 =	sor.u32 s3, s0;
	s1 =	sshll.u32 s1, $0x11  }
0xc8: {  	s0 =	sor.u32 s1, s0  }
0xc9: {  	s0 =	sadd.s32 $0x8F2B, s0  }
0xca: {  	[sflag:s0] =	ssyncadd.remote.s32 $0x1  }
0xcb: {  	_ =	sfence.sel $0xFFFF  }
0xcc: {  	[dreg:$0x0] =	wrdreg $0xFFFFFFFF;
	(pc) =	sbr.abs _section_cstart, $3  }
0xcd: {  	[dreg:$0x1] =	wrdreg $0xFFFFFFFF  }
0xce: {  	_ =	task.clear_ibuf [dreg:s14], $0x2FFFF;
	_ =	strace $0x9FFFFFFF  }
0xcf: {  	(tm) =	ssettm $0x7FFFFFFF  }
tec
execute0_lowered:
.L_overlay_start_1:
0x0: {  	(tag) =	ssettag $0x1  }
0x1: {  	s0 =	rddreg [dreg:$0x0]  }
0x2: {  	s1 =	srdreg.scid;
	s9 =	rddreg [dreg:$0x7]  }
0x3: {  	s2 =	stileid.u32;
	s10 =	simm.s32 $0x0;
	s22 =	simm.s32 $0x7  }
0x4: {  	s29 =	simm.s32 $0x4000;
	s30 =	simm.s32 $0x8000;
	s31 =	simm.s32 $0xC000  }
0x5: {  	s5 =	simm.s32 $0x1;
	s6 =	simm.s32 $0x10000;
	s4 =	simm.s32 $0x5  }
0x6: {  	s7 =	simm.s32 $0x4;
	s8 =	simm.s32 $0x6;
	s1 =	sand.u32 $0x1, s1  }
0x7: {  	s21 =	simm.s32 $0x0;
	s2 =	sshll.u32 s2, $0x6;
	s3 =	sshll.u32 s1, $0x5  }
0x8: {  	[smem:$0x7FF] =	sst s10;
	s1 =	ssub.s32 $0x2, s1;
	s11 =	sor.u32 s3, s2  }
0x9: {  	_ =	strace $0x80000047;
	s25 =	sshrl.u32 s1, $0x1;
	s3 =	sshll.u32 s11, $0xA  }
0xa: {  	s2 =	simm.s32 $0x14000;
	s1 =	ssub.s32 s1, s25;
	s12 =	sadd.s32 s0, s3  }
0xb: {  	s15 =	sor.u32 $0x1800, s3;
	s16 =	sadd.s32 s9, s3;
	s20 =	smax.u32 s1, $0x1  }
0xc: {  	s1 =	simm.s32 $0x2;
	s3 =	simm.s32 $0x3;
	s26 =	sadd.s32 $0x800, s12  }
0xd: {  	s28 =	sadd.s32 $0x1000, s12;
	s17 =	sadd.s32 $0x2000, s12;
	[dreg:$0x9] =	wrdreg s26  }
0xe: {  	s18 =	sadd.s32 $0x2800, s12;
	s19 =	sadd.s32 $0x3000, s12;
	[dreg:$0xa] =	wrdreg s28  }
.LBB2_1:
0xf: {  	s13 =	rddreg [dreg:$0x1];
	s14 =	simm.s32 $0x18000  }
0x10: {  	[tilespmem:s14], [sflag:$0x7] =	stream.linear.gather [hbm4b:s13+s10], $0x200, $0x38;
	[tilespmem:$0x18C00] =	vst v63  }
0x11: {  	_ =	swait.ge [sflag:s22], $0x200  }
0x12: {  	[sflag:s22] =	ssyncset.done $0x0  }
0x13: {  	[sflag:s22] =	ssyncadd.s32 $0xFFFFFE00  }
0x14: {  	s23 =	simm.s32 $0x18200;
	s14 =	rddreg [dreg:$0x2]  }
0x15: {  	[tilespmem:s23], [sflag:$0x7] =	stream.linear.gather [hbm4b:s14+s10], $0x200, $0x38;
	[tilespmem:$0x18C00] =	vst v63  }
0x16: {  	_ =	swait.ge [sflag:s22], $0x200  }
0x17: {  	[sflag:s22] =	ssyncset.done $0x0  }
0x18: {  	[sflag:s22] =	ssyncadd.s32 $0xFFFFFE00  }
0x19: {  	s25 =	simm.s32 $0x18400;
	s24 =	rddreg [dreg:$0x3]  }
0x1a: {  	[tilespmem:s25], [sflag:$0x7] =	stream.linear.gather [hbm4b:s24+s10], $0x200, $0x38;
	[tilespmem:$0x18C00] =	vst v63  }
0x1b: {  	_ =	swait.ge [sflag:s22], $0x200  }
0x1c: {  	[sflag:s22] =	ssyncset.done $0x0  }
0x1d: {  	[sflag:s22] =	ssyncadd.s32 $0xFFFFFE00  }
0x1e: {  	s28 =	simm.s32 $0x18600;
	s26 =	rddreg [dreg:$0x4]  }
0x1f: {  	[tilespmem:s28], [sflag:$0x7] =	stream.linear.gather [hbm4b:s26+s10], $0x200, $0x38;
	[tilespmem:$0x18C00] =	vst v63  }
0x20: {  	_ =	swait.ge [sflag:s22], $0x200  }
0x21: {  	[sflag:s22] =	ssyncset.done $0x0  }
0x22: {  	[sflag:s22] =	ssyncadd.s32 $0xFFFFFE00  }
0x23: {  	s23 =	simm.s32 $0x18800;
	s14 =	rddreg [dreg:$0x5]  }
0x24: {  	[tilespmem:s23], [sflag:$0x7] =	stream.linear.gather [hbm4b:s14+s10], $0x200, $0x38;
	[tilespmem:$0x18C00] =	vst v63  }
0x25: {  	_ =	swait.ge [sflag:s22], $0x200  }
0x26: {  	[sflag:s22] =	ssyncset.done $0x0  }
0x27: {  	[sflag:s22] =	ssyncadd.s32 $0xFFFFFE00  }
0x28: {  	s25 =	simm.s32 $0x18A00;
	s24 =	rddreg [dreg:$0x6]  }
0x29: {  	[tilespmem:s25], [sflag:$0x7] =	stream.linear.gather [hbm4b:s24+s10], $0x200, $0x38;
	[tilespmem:$0x18C00] =	vst v63  }
0x2a: {  	_ =	swait.ge [sflag:s22], $0x200  }
0x2b: {  	[sflag:s22] =	ssyncset.done $0x0  }
0x2c: {  	[sflag:s22] =	ssyncadd.s32 $0xFFFFFE00  }
0x2d: {  	[tilespmem:s10], [sflag:$0x1] =	stream.linear.gather [hbm4b:s12+s10], $0x4000, $0x38;
	[tilespmem:$0x18C00] =	vst v63  }
0x2e: {  	s26 =	rddreg [dreg:$0x9]  }
0x2f: {  	[tilespmem:s29], [sflag:$0x2] =	stream.linear.gather [hbm4b:s26+s10], $0x4000, $0x38;
	[tilespmem:$0x18C00] =	vst v63  }
0x30: {  	s23 =	simm.s32 $0x0;
	s28 =	rddreg [dreg:$0xa]  }
0x31: {  	[tilespmem:s30], [sflag:$0x3] =	stream.linear.gather [hbm4b:s28+s10], $0x4000, $0x38;
	[tilespmem:$0x18C00] =	vst v63  }
.LBB2_2:
0x32: {  	s25 =	sshll.u32 s23, $0xD  }
0x33: {  	s24 =	sadd.s32 s15, s25  }
0x34: {  	s13 =	sadd.s32 s0, s24  }
0x35: {  	[tilespmem:s31], [sflag:$0x4] =	stream.linear.gather [hbm4b:s13+s10], $0x4000, $0x38;
	[tilespmem:$0x18C00] =	vst v63  }
0x36: {  	_ =	swait.ge [sflag:s5], $0x4000  }
0x37: {  	p1 =	seq.s32 s23, $0x0;
	[sflag:s5] =	ssyncset.done $0x0  }
0x38: {  	s13 =	simm.s32 @!p1 $0x5;
	[sflag:s5] =	ssyncadd.s32 $0xFFFFC000  }
0x39: {  	_ =	swait.ge @!p1 [sflag:s13], $0x4000  }
0x3a: {  	[sflag:s13] =	ssyncset.done @!p1 $0x0  }
0x3b: {  	s26 =	simm.s32 $0x0;
	[sflag:s13] =	ssyncadd.s32 @!p1 $0xFFFFC000  }
.LBB2_3:
0x3c: {  	s13 =	sshll.u32 s26, $0x4  }
0x3d: {  	v1 =	vld [tilespmem:s13+$0x18000]  }
0x3e: {  	v9 =	vld [tilespmem:s13+$0x18200]  }
0x3f: {  	v12 =	vld [tilespmem:s13+$0x18400]  }
0x40: {  	v13 =	vld [tilespmem:s13+$0x18600];
	_ =	sdelay $0x2  }
0x41: {  	v0 =	vand.u32 $0x7F, v1  }
0x42: {  	v1 =	vshll.u32 v1, $0x3;
	v10 =	vshll.u32 v9, $0x3;
	v9 =	vand.u32 $0x7F, v9  }
0x43: {  	v11 =	vand.u32 $0x7F, v12;
	v12 =	vshll.u32 v12, $0x3;
	v14 =	vshll.u32 v13, $0x3  }
0x44: {  	v13 =	vand.u32 $0x7F, v13;
	v1 =	vand.u32 $0xFFFFFC00, v1;
	v2 =	vor.u32 $0x80, v0  }
0x45: {  	v3 =	vor.u32 $0x100, v0;
	v4 =	vor.u32 $0x180, v0;
	v5 =	vor.u32 $0x200, v0  }
0x46: {  	v6 =	vor.u32 $0x280, v0;
	v7 =	vor.u32 $0x300, v0;
	v8 =	vor.u32 $0x380, v0  }
0x47: {  	v10 =	vand.u32 $0xFFFFFC00, v10;
	v12 =	vand.u32 $0xFFFFFC00, v12;
	v14 =	vand.u32 $0xFFFFFC00, v14  }
0x48: {  	v15 =	vor.u32 $0x80, v9;
	v16 =	vor.u32 $0x80, v11;
	v17 =	vor.u32 $0x80, v13  }
0x49: {  	v18 =	vor.u32 $0x100, v9;
	v19 =	vor.u32 $0x100, v11;
	v20 =	vor.u32 $0x100, v13  }
0x4a: {  	v21 =	vor.u32 $0x180, v9;
	v22 =	vor.u32 $0x180, v11;
	v23 =	vor.u32 $0x180, v13  }
0x4b: {  	v24 =	vor.u32 $0x200, v9;
	v25 =	vor.u32 $0x200, v11;
	v26 =	vor.u32 $0x200, v13  }
0x4c: {  	v27 =	vor.u32 $0x280, v9;
	v28 =	vor.u32 $0x280, v11;
	v29 =	vor.u32 $0x280, v13  }
0x4d: {  	v30 =	vld [tilespmem:s13+$0x18800];
	v31 =	vor.u32 $0x300, v9;
	v32 =	vor.u32 $0x300, v11;
	v33 =	vor.u32 $0x300, v13  }
0x4e: {  	p0 =	por $0x1, $0x1;
	v34 =	vld [tilespmem:s13+$0x18A00];
	s13 =	simm.s32 $0x0;
	v35 =	vor.u32 $0x380, v9;
	v36 =	vor.u32 $0x380, v11;
	v37 =	vor.u32 $0x380, v13  }
.LBB2_4:
0x4f: {  	s13 =	sshll.u32 s13, $0xD  }
0x50: {  	v38 =	vadd.s32 s13, v1  }
0x51: {  	v40 =	vadd.s32 s13, v10;
	v39 =	vor.u32 v0, v38  }
0x52: {  	v41 =	vor.u32 v9, v40;
	_ =	sdelay $0x3  }
0x53: {  	v42 =	vor.u32 v2, v38;
	v39 =	vld.idx.msk [tilespmem:v39+s10+$0x0], $0xffff  }
0x54: {  	v43 =	vor.u32 v15, v40;
	v41 =	vld.idx.msk [tilespmem:v41+s10+$0x0], $0xffff  }
0x55: {  	v44 =	vor.u32 v3, v38  }
0x56: {  	v45 =	vor.u32 v18, v40  }
0x57: {  	v46 =	vadd.s32 s13, v12  }
0x58: {  	v49 =	vor.u32 v11, v46;
	v42 =	vld.idx.msk [tilespmem:v42+s10+$0x0], $0xffff  }
0x59: {  	v51 =	vor.u32 v4, v38;
	v43 =	vld.idx.msk [tilespmem:v43+s10+$0x0], $0xffff;
	v47 =	vmul.f32 v39, v30;
	v48 =	vmul.f32 v41, v34  }
0x5a: {  	v54 =	vor.u32 v21, v40;
	v62 =	vor.u32 v19, v46;
	v56 =	vor.u32 v5, v38;
	v44 =	vld.idx.msk [tilespmem:v44+s10+$0x0], $0xffff  }
0x5b: {  	v57 =	vor.u32 v24, v40;
	v45 =	vld.idx.msk [tilespmem:v45+s10+$0x0], $0xffff;
	v47 =	vsub.f32 v47, v48;
	v48 =	vadd.s32 s13, v14  }
0x5c: {  	v41 =	vmul.f32 v41, v30;
	v39 =	vmul.f32 v39, v34;
	v50 =	vor.u32 v13, v48  }
0x5d: {  	v52 =	vmul.f32 v42, v30;
	[tilespmem:v49+s6+$0x0] =	vst.idx.msk $0xffff, v47;
	v47 =	vor.u32 v16, v46  }
0x5e: {  	v53 =	vmul.f32 v43, v34;
	v43 =	vmul.f32 v43, v30;
	v61 =	vor.u32 v17, v48  }
0x5f: {  	v42 =	vmul.f32 v42, v34;
	v63 =	vmul.f32 v44, v30;
	v39 =	vadd.f32 v41, v39  }
0x60: {  	v51 =	vld.idx.msk [tilespmem:v51+s10+$0x0], $0xffff;
	v55 =	vmul.f32 v45, v34;
	v44 =	vmul.f32 v44, v34;
	v60 =	vsub.f32 v52, v53  }
0x61: {  	v59 =	vor.u32 v20, v48;
	[tilespmem:v50+s6+$0x0] =	vst.idx.msk $0xffff, v39;
	v50 =	vadd.f32 v43, v42;
	v42 =	vld.idx.msk [tilespmem:v54+s10+$0x0], $0xffff  }
0x62: {  	[tilespmem:v47+s6+$0x0] =	vst.idx.msk $0xffff, v60;
	v60 =	vmul.f32 v45, v30;
	v47 =	vor.u32 v7, v38  }
0x63: {  	v58 =	vsub.f32 v63, v55;
	v43 =	vld.idx.msk [tilespmem:v57+s10+$0x0], $0xffff;
	[tilespmem:v61+s6+$0x0] =	vst.idx.msk $0xffff, v50;
	v61 =	vor.u32 v6, v38  }
0x64: {  	v39 =	vadd.f32 v60, v44;
	v44 =	vld.idx.msk [tilespmem:v56+s10+$0x0], $0xffff;
	v56 =	vor.u32 v27, v40  }
0x65: {  	v41 =	vor.u32 v22, v46;
	[tilespmem:v62+s6+$0x0] =	vst.idx.msk $0xffff, v58;
	v62 =	vmul.f32 v51, v30  }
0x66: {  	v58 =	vmul.f32 v51, v34;
	v60 =	vor.u32 v31, v40;
	v63 =	vmul.f32 v42, v34  }
0x67: {  	[tilespmem:v59+s6+$0x0] =	vst.idx.msk $0xffff, v39;
	v42 =	vmul.f32 v42, v30;
	v59 =	vor.u32 v23, v48;
	v47 =	vld.idx.msk [tilespmem:v47+s10+$0x0], $0xffff  }
0x68: {  	v38 =	vor.u32 v8, v38;
	v57 =	vsub.f32 v62, v63;
	v39 =	vld.idx.msk [tilespmem:v61+s10+$0x0], $0xffff  }
0x69: {  	v40 =	vor.u32 v35, v40;
	v61 =	vadd.f32 v42, v58;
	v63 =	vmul.f32 v43, v34;
	v56 =	vld.idx.msk [tilespmem:v56+s10+$0x0], $0xffff  }
0x6a: {  	v62 =	vmul.f32 v44, v30;
	[tilespmem:v41+s6+$0x0] =	vst.idx.msk $0xffff, v57;
	v57 =	vor.u32 v25, v46  }
0x6b: {  	v43 =	vmul.f32 v43, v30;
	v58 =	vor.u32 v26, v48;
	v44 =	vmul.f32 v44, v34  }
0x6c: {  	[tilespmem:v59+s6+$0x0] =	vst.idx.msk $0xffff, v61;
	v59 =	vld.idx.msk [tilespmem:v60+s10+$0x0], $0xffff;
	v42 =	vsub.f32 v62, v63  }
0x6d: {  	v38 =	vld.idx.msk [tilespmem:v38+s10+$0x0], $0xffff;
	v43 =	vadd.f32 v43, v44;
	v60 =	vor.u32 v28, v46;
	v54 =	vmul.f32 v47, v30  }
0x6e: {  	v40 =	vld.idx.msk [tilespmem:v40+s10+$0x0], $0xffff;
	v63 =	vor.u32 v29, v48;
	v61 =	vmul.f32 v39, v30;
	v62 =	vmul.f32 v56, v34  }
0x6f: {  	v39 =	vmul.f32 v39, v34;
	v52 =	vmul.f32 v56, v30;
	[tilespmem:v57+s6+$0x0] =	vst.idx.msk $0xffff, v42  }
0x70: {  	v56 =	vor.u32 v32, v46;
	[tilespmem:v58+s6+$0x0] =	vst.idx.msk $0xffff, v43;
	v53 =	vsub.f32 v61, v62  }
0x71: {  	v39 =	vadd.f32 v52, v39;
	v55 =	vmul.f32 v59, v34;
	v41 =	vmul.f32 v59, v30  }
0x72: {  	v58 =	vor.u32 v33, v48;
	v59 =	vmul.f32 v47, v34;
	v61 =	vmul.f32 v38, v30  }
0x73: {  	v62 =	vmul.f32 v40, v34;
	[tilespmem:v60+s6+$0x0] =	vst.idx.msk $0xffff, v53;
	v60 =	vor.u32 v36, v46  }
0x74: {  	p2 =	por p0, p0;
	v48 =	vor.u32 v37, v48;
	v40 =	vmul.f32 v40, v30;
	v57 =	vsub.f32 v54, v55  }
.Ltmp0:
0x75: {  	v38 =	vmul.f32 v38, v34;
	v41 =	vadd.f32 v41, v59;
	[tilespmem:v63+s6+$0x0] =	vst.idx.msk $0xffff, v39;
	(pc) =	sbr.rel @p2 .LBB2_4-.Ltmp0, $4  }
0x76: {  	v63 =	vsub.f32 v61, v62;
	[tilespmem:v56+s6+$0x0] =	vst.idx.msk $0xffff, v57  }
0x77: {  	v38 =	vadd.f32 v40, v38;
	[tilespmem:v58+s6+$0x0] =	vst.idx.msk $0xffff, v41  }
0x78: {  	[tilespmem:v60+s6+$0x0] =	vst.idx.msk $0xffff, v63  }
0x79: {  	p0 =	por $0x0, $0x0;
	s13 =	simm.s32 $0x1;
	[tilespmem:v48+s6+$0x0] =	vst.idx.msk $0xffff, v38  }
0x7a: {  	s26 =	sadd.s32 $0x1, s26  }
0x7b: {  	p0 =	sne.s32 s26, $0x20  }
.Ltmp1:
0x7c: {  	_ = 	snop;
	(pc) =	sbr.rel @p0 .LBB2_3-.Ltmp1, $1  }
0x7d: {  	_ =	sdelay $0x3  }
0x7e: {  	s13 =	sadd.s32 s25, s16;
	p0 =	seq.s32 s23, $0x3  }
0x7f: {  	[hbm4b:s13+s10] =	stream.linear.scatter [tilespmem:s6], [sflag:$0x5], $0x4000, $0x38;
	[tilespmem:$0x18C00] =	vst v63  }
0x80: {  	s13 =	sadd.s32 @!p0 s25, s17;
	s14 =	simm.s32 @!p0 $0x0  }
0x81: {  	[tilespmem:s14], [sflag:$0x1] =	stream.linear.gather @!p0 [hbm4b:s13+s14], $0x4000, $0x38;
	[tilespmem:$0x18C00] =	vst v63  }
0x82: {  	_ =	swait.ge [sflag:s1], $0x4000  }
0x83: {  	[sflag:s1] =	ssyncset.done $0x0  }
0x84: {  	s13 =	simm.s32 @!p1 $0x6;
	[sflag:s1] =	ssyncadd.s32 $0xFFFFC000  }
0x85: {  	s26 =	sshll.u32 s23, $0x3;
	_ =	swait.ge @!p1 [sflag:s13], $0x4000  }
0x86: {  	s26 =	sadd.s32 s26, s11;
	[sflag:s13] =	ssyncset.done @!p1 $0x0  }
0x87: {  	s28 =	sadd.s32 $0x2, s26;
	[sflag:s13] =	ssyncadd.s32 @!p1 $0xFFFFC000;
	s13 =	simm.s32 $0x0  }
.LBB2_7:
0x88: {  	s14 =	sshll.u32 s13, $0x4  }
0x89: {  	v1 =	vld [tilespmem:s14+$0x18000]  }
0x8a: {  	v9 =	vld [tilespmem:s14+$0x18200]  }
0x8b: {  	v12 =	vld [tilespmem:s14+$0x18400]  }
0x8c: {  	v13 =	vld [tilespmem:s14+$0x18600];
	_ =	sdelay $0x2  }
0x8d: {  	v0 =	vand.u32 $0x7F, v1  }
0x8e: {  	v1 =	vshll.u32 v1, $0x3;
	v10 =	vshll.u32 v9, $0x3;
	v9 =	vand.u32 $0x7F, v9  }
0x8f: {  	v11 =	vand.u32 $0x7F, v12;
	v12 =	vshll.u32 v12, $0x3;
	v14 =	vshll.u32 v13, $0x3  }
0x90: {  	v13 =	vand.u32 $0x7F, v13;
	v1 =	vand.u32 $0xFFFFFC00, v1;
	v2 =	vor.u32 $0x80, v0  }
0x91: {  	v3 =	vor.u32 $0x100, v0;
	v4 =	vor.u32 $0x180, v0;
	v5 =	vor.u32 $0x200, v0  }
0x92: {  	v6 =	vor.u32 $0x280, v0;
	v7 =	vor.u32 $0x300, v0;
	v8 =	vor.u32 $0x380, v0  }
0x93: {  	v10 =	vand.u32 $0xFFFFFC00, v10;
	v12 =	vand.u32 $0xFFFFFC00, v12;
	v14 =	vand.u32 $0xFFFFFC00, v14  }
0x94: {  	v15 =	vor.u32 $0x80, v9;
	v16 =	vor.u32 $0x80, v11;
	v17 =	vor.u32 $0x80, v13  }
0x95: {  	v18 =	vor.u32 $0x100, v9;
	v19 =	vor.u32 $0x100, v11;
	v20 =	vor.u32 $0x100, v13  }
0x96: {  	v21 =	vor.u32 $0x180, v9;
	v22 =	vor.u32 $0x180, v11;
	v23 =	vor.u32 $0x180, v13  }
0x97: {  	v24 =	vor.u32 $0x200, v9;
	v25 =	vor.u32 $0x200, v11;
	v26 =	vor.u32 $0x200, v13  }
0x98: {  	v27 =	vor.u32 $0x280, v9;
	v28 =	vor.u32 $0x280, v11;
	v29 =	vor.u32 $0x280, v13  }
0x99: {  	v30 =	vld [tilespmem:s14+$0x18800];
	v31 =	vor.u32 $0x300, v9;
	v32 =	vor.u32 $0x300, v11;
	v33 =	vor.u32 $0x300, v13  }
0x9a: {  	p1 =	por $0x1, $0x1;
	v34 =	vld [tilespmem:s14+$0x18A00];
	s14 =	simm.s32 $0x0;
	v35 =	vor.u32 $0x380, v9;
	v36 =	vor.u32 $0x380, v11;
	v37 =	vor.u32 $0x380, v13  }
.LBB2_8:
0x9b: {  	s14 =	sshll.u32 s14, $0xD  }
0x9c: {  	v38 =	vadd.s32 s14, v1  }
0x9d: {  	v40 =	vadd.s32 s14, v10;
	v39 =	vor.u32 v0, v38  }
0x9e: {  	v41 =	vor.u32 v9, v40;
	_ =	sdelay $0x3  }
0x9f: {  	v42 =	vor.u32 v2, v38;
	v39 =	vld.idx.msk [tilespmem:v39+s29+$0x0], $0xffff  }
0xa0: {  	v43 =	vor.u32 v15, v40;
	v41 =	vld.idx.msk [tilespmem:v41+s29+$0x0], $0xffff  }
0xa1: {  	v44 =	vor.u32 v3, v38  }
0xa2: {  	v45 =	vor.u32 v18, v40  }
0xa3: {  	v46 =	vadd.s32 s14, v12  }
0xa4: {  	v49 =	vor.u32 v11, v46;
	v42 =	vld.idx.msk [tilespmem:v42+s29+$0x0], $0xffff  }
0xa5: {  	v51 =	vor.u32 v4, v38;
	v43 =	vld.idx.msk [tilespmem:v43+s29+$0x0], $0xffff;
	v47 =	vmul.f32 v39, v30;
	v48 =	vmul.f32 v41, v34  }
0xa6: {  	v54 =	vor.u32 v21, v40;
	v62 =	vor.u32 v19, v46;
	v56 =	vor.u32 v5, v38;
	v44 =	vld.idx.msk [tilespmem:v44+s29+$0x0], $0xffff  }
0xa7: {  	v57 =	vor.u32 v24, v40;
	v45 =	vld.idx.msk [tilespmem:v45+s29+$0x0], $0xffff;
	v47 =	vsub.f32 v47, v48;
	v48 =	vadd.s32 s14, v14  }
0xa8: {  	v41 =	vmul.f32 v41, v30;
	v39 =	vmul.f32 v39, v34;
	v50 =	vor.u32 v13, v48  }
0xa9: {  	v52 =	vmul.f32 v42, v30;
	[tilespmem:v49+s2+$0x0] =	vst.idx.msk $0xffff, v47;
	v47 =	vor.u32 v16, v46  }
0xaa: {  	v53 =	vmul.f32 v43, v34;
	v43 =	vmul.f32 v43, v30;
	v61 =	vor.u32 v17, v48  }
0xab: {  	v42 =	vmul.f32 v42, v34;
	v63 =	vmul.f32 v44, v30;
	v39 =	vadd.f32 v41, v39  }
0xac: {  	v51 =	vld.idx.msk [tilespmem:v51+s29+$0x0], $0xffff;
	v55 =	vmul.f32 v45, v34;
	v44 =	vmul.f32 v44, v34;
	v60 =	vsub.f32 v52, v53  }
0xad: {  	v59 =	vor.u32 v20, v48;
	[tilespmem:v50+s2+$0x0] =	vst.idx.msk $0xffff, v39;
	v50 =	vadd.f32 v43, v42;
	v42 =	vld.idx.msk [tilespmem:v54+s29+$0x0], $0xffff  }
0xae: {  	[tilespmem:v47+s2+$0x0] =	vst.idx.msk $0xffff, v60;
	v60 =	vmul.f32 v45, v30;
	v47 =	vor.u32 v7, v38  }
0xaf: {  	v58 =	vsub.f32 v63, v55;
	v43 =	vld.idx.msk [tilespmem:v57+s29+$0x0], $0xffff;
	[tilespmem:v61+s2+$0x0] =	vst.idx.msk $0xffff, v50;
	v61 =	vor.u32 v6, v38  }
0xb0: {  	v39 =	vadd.f32 v60, v44;
	v44 =	vld.idx.msk [tilespmem:v56+s29+$0x0], $0xffff;
	v56 =	vor.u32 v27, v40  }
0xb1: {  	v41 =	vor.u32 v22, v46;
	[tilespmem:v62+s2+$0x0] =	vst.idx.msk $0xffff, v58;
	v62 =	vmul.f32 v51, v30  }
0xb2: {  	v58 =	vmul.f32 v51, v34;
	v60 =	vor.u32 v31, v40;
	v63 =	vmul.f32 v42, v34  }
0xb3: {  	[tilespmem:v59+s2+$0x0] =	vst.idx.msk $0xffff, v39;
	v42 =	vmul.f32 v42, v30;
	v59 =	vor.u32 v23, v48;
	v47 =	vld.idx.msk [tilespmem:v47+s29+$0x0], $0xffff  }
0xb4: {  	v38 =	vor.u32 v8, v38;
	v57 =	vsub.f32 v62, v63;
	v39 =	vld.idx.msk [tilespmem:v61+s29+$0x0], $0xffff  }
0xb5: {  	v40 =	vor.u32 v35, v40;
	v61 =	vadd.f32 v42, v58;
	v63 =	vmul.f32 v43, v34;
	v56 =	vld.idx.msk [tilespmem:v56+s29+$0x0], $0xffff  }
0xb6: {  	v62 =	vmul.f32 v44, v30;
	[tilespmem:v41+s2+$0x0] =	vst.idx.msk $0xffff, v57;
	v57 =	vor.u32 v25, v46  }
0xb7: {  	v43 =	vmul.f32 v43, v30;
	v58 =	vor.u32 v26, v48;
	v44 =	vmul.f32 v44, v34  }
0xb8: {  	[tilespmem:v59+s2+$0x0] =	vst.idx.msk $0xffff, v61;
	v59 =	vld.idx.msk [tilespmem:v60+s29+$0x0], $0xffff;
	v42 =	vsub.f32 v62, v63  }
0xb9: {  	v38 =	vld.idx.msk [tilespmem:v38+s29+$0x0], $0xffff;
	v43 =	vadd.f32 v43, v44;
	v60 =	vor.u32 v28, v46;
	v54 =	vmul.f32 v47, v30  }
0xba: {  	v40 =	vld.idx.msk [tilespmem:v40+s29+$0x0], $0xffff;
	v63 =	vor.u32 v29, v48;
	v61 =	vmul.f32 v39, v30;
	v62 =	vmul.f32 v56, v34  }
0xbb: {  	v39 =	vmul.f32 v39, v34;
	v52 =	vmul.f32 v56, v30;
	[tilespmem:v57+s2+$0x0] =	vst.idx.msk $0xffff, v42  }
0xbc: {  	v56 =	vor.u32 v32, v46;
	[tilespmem:v58+s2+$0x0] =	vst.idx.msk $0xffff, v43;
	v53 =	vsub.f32 v61, v62  }
0xbd: {  	v39 =	vadd.f32 v52, v39;
	v55 =	vmul.f32 v59, v34;
	v41 =	vmul.f32 v59, v30  }
0xbe: {  	v58 =	vor.u32 v33, v48;
	v59 =	vmul.f32 v47, v34;
	v61 =	vmul.f32 v38, v30  }
0xbf: {  	v62 =	vmul.f32 v40, v34;
	[tilespmem:v60+s2+$0x0] =	vst.idx.msk $0xffff, v53;
	v60 =	vor.u32 v36, v46  }
0xc0: {  	p2 =	por p1, p1;
	v48 =	vor.u32 v37, v48;
	v40 =	vmul.f32 v40, v30;
	v57 =	vsub.f32 v54, v55  }
.Ltmp2:
0xc1: {  	v38 =	vmul.f32 v38, v34;
	v41 =	vadd.f32 v41, v59;
	[tilespmem:v63+s2+$0x0] =	vst.idx.msk $0xffff, v39;
	(pc) =	sbr.rel @p2 .LBB2_8-.Ltmp2, $4  }
0xc2: {  	v63 =	vsub.f32 v61, v62;
	[tilespmem:v56+s2+$0x0] =	vst.idx.msk $0xffff, v57  }
0xc3: {  	v38 =	vadd.f32 v40, v38;
	[tilespmem:v58+s2+$0x0] =	vst.idx.msk $0xffff, v41  }
0xc4: {  	[tilespmem:v60+s2+$0x0] =	vst.idx.msk $0xffff, v63  }
0xc5: {  	p1 =	por $0x0, $0x0;
	s14 =	simm.s32 $0x1;
	[tilespmem:v48+s2+$0x0] =	vst.idx.msk $0xffff, v38  }
0xc6: {  	s13 =	sadd.s32 $0x1, s13  }
0xc7: {  	p1 =	sne.s32 s13, $0x20  }
.Ltmp3:
0xc8: {  	_ = 	snop;
	(pc) =	sbr.rel @p1 .LBB2_7-.Ltmp3, $1  }
0xc9: {  	_ =	sdelay $0x3  }
0xca: {  	s13 =	sshll.u32 s28, $0xA  }
0xcb: {  	s13 =	sadd.s32 s9, s13  }
0xcc: {  	[hbm4b:s13+s10] =	stream.linear.scatter [tilespmem:s2], [sflag:$0x6], $0x4000, $0x38;
	[tilespmem:$0x18C00] =	vst v63  }
0xcd: {  	s14 =	simm.s32 @!p0 $0x0;
	s28 =	simm.s32 @!p0 $0x4000;
	s13 =	sadd.s32 @!p0 s25, s18  }
0xce: {  	[tilespmem:s28], [sflag:$0x2] =	stream.linear.gather @!p0 [hbm4b:s13+s14], $0x4000, $0x38;
	[tilespmem:$0x18C00] =	vst v63  }
0xcf: {  	_ =	swait.ge [sflag:s3], $0x4000  }
0xd0: {  	[sflag:s3] =	ssyncset.done $0x0  }
0xd1: {  	[sflag:s3] =	ssyncadd.s32 $0xFFFFC000  }
0xd2: {  	_ =	swait.ge [sflag:s4], $0x4000  }
0xd3: {  	[sflag:s4] =	ssyncset.done $0x0  }
0xd4: {  	s13 =	simm.s32 $0x0;
	[sflag:s4] =	ssyncadd.s32 $0xFFFFC000  }
.LBB2_11:
0xd5: {  	s14 =	sshll.u32 s13, $0x4  }
0xd6: {  	v1 =	vld [tilespmem:s14+$0x18000]  }
0xd7: {  	v9 =	vld [tilespmem:s14+$0x18200]  }
0xd8: {  	v12 =	vld [tilespmem:s14+$0x18400]  }
0xd9: {  	v13 =	vld [tilespmem:s14+$0x18600];
	_ =	sdelay $0x2  }
0xda: {  	v0 =	vand.u32 $0x7F, v1  }
0xdb: {  	v1 =	vshll.u32 v1, $0x3;
	v10 =	vshll.u32 v9, $0x3;
	v9 =	vand.u32 $0x7F, v9  }
0xdc: {  	v11 =	vand.u32 $0x7F, v12;
	v12 =	vshll.u32 v12, $0x3;
	v14 =	vshll.u32 v13, $0x3  }
0xdd: {  	v13 =	vand.u32 $0x7F, v13;
	v1 =	vand.u32 $0xFFFFFC00, v1;
	v2 =	vor.u32 $0x80, v0  }
0xde: {  	v3 =	vor.u32 $0x100, v0;
	v4 =	vor.u32 $0x180, v0;
	v5 =	vor.u32 $0x200, v0  }
0xdf: {  	v6 =	vor.u32 $0x280, v0;
	v7 =	vor.u32 $0x300, v0;
	v8 =	vor.u32 $0x380, v0  }
0xe0: {  	v10 =	vand.u32 $0xFFFFFC00, v10;
	v12 =	vand.u32 $0xFFFFFC00, v12;
	v14 =	vand.u32 $0xFFFFFC00, v14  }
0xe1: {  	v15 =	vor.u32 $0x80, v9;
	v16 =	vor.u32 $0x80, v11;
	v17 =	vor.u32 $0x80, v13  }
0xe2: {  	v18 =	vor.u32 $0x100, v9;
	v19 =	vor.u32 $0x100, v11;
	v20 =	vor.u32 $0x100, v13  }
0xe3: {  	v21 =	vor.u32 $0x180, v9;
	v22 =	vor.u32 $0x180, v11;
	v23 =	vor.u32 $0x180, v13  }
0xe4: {  	v24 =	vor.u32 $0x200, v9;
	v25 =	vor.u32 $0x200, v11;
	v26 =	vor.u32 $0x200, v13  }
0xe5: {  	v27 =	vor.u32 $0x280, v9;
	v28 =	vor.u32 $0x280, v11;
	v29 =	vor.u32 $0x280, v13  }
0xe6: {  	v30 =	vld [tilespmem:s14+$0x18800];
	v31 =	vor.u32 $0x300, v9;
	v32 =	vor.u32 $0x300, v11;
	v33 =	vor.u32 $0x300, v13  }
0xe7: {  	p1 =	por $0x1, $0x1;
	v34 =	vld [tilespmem:s14+$0x18A00];
	s14 =	simm.s32 $0x0;
	v35 =	vor.u32 $0x380, v9;
	v36 =	vor.u32 $0x380, v11;
	v37 =	vor.u32 $0x380, v13  }
.LBB2_12:
0xe8: {  	s14 =	sshll.u32 s14, $0xD  }
0xe9: {  	v38 =	vadd.s32 s14, v1  }
0xea: {  	v40 =	vadd.s32 s14, v10;
	v39 =	vor.u32 v0, v38  }
0xeb: {  	v41 =	vor.u32 v9, v40;
	_ =	sdelay $0x3  }
0xec: {  	v42 =	vor.u32 v2, v38;
	v39 =	vld.idx.msk [tilespmem:v39+s30+$0x0], $0xffff  }
0xed: {  	v43 =	vor.u32 v15, v40;
	v41 =	vld.idx.msk [tilespmem:v41+s30+$0x0], $0xffff  }
0xee: {  	v44 =	vor.u32 v3, v38  }
0xef: {  	v45 =	vor.u32 v18, v40  }
0xf0: {  	v46 =	vadd.s32 s14, v12  }
0xf1: {  	v49 =	vor.u32 v11, v46;
	v42 =	vld.idx.msk [tilespmem:v42+s30+$0x0], $0xffff  }
0xf2: {  	v51 =	vor.u32 v4, v38;
	v43 =	vld.idx.msk [tilespmem:v43+s30+$0x0], $0xffff;
	v47 =	vmul.f32 v39, v30;
	v48 =	vmul.f32 v41, v34  }
0xf3: {  	v54 =	vor.u32 v21, v40;
	v62 =	vor.u32 v19, v46;
	v56 =	vor.u32 v5, v38;
	v44 =	vld.idx.msk [tilespmem:v44+s30+$0x0], $0xffff  }
0xf4: {  	v57 =	vor.u32 v24, v40;
	v45 =	vld.idx.msk [tilespmem:v45+s30+$0x0], $0xffff;
	v47 =	vsub.f32 v47, v48;
	v48 =	vadd.s32 s14, v14  }
0xf5: {  	v41 =	vmul.f32 v41, v30;
	v39 =	vmul.f32 v39, v34;
	v50 =	vor.u32 v13, v48  }
0xf6: {  	v52 =	vmul.f32 v42, v30;
	[tilespmem:v49+s6+$0x0] =	vst.idx.msk $0xffff, v47;
	v47 =	vor.u32 v16, v46  }
0xf7: {  	v53 =	vmul.f32 v43, v34;
	v43 =	vmul.f32 v43, v30;
	v61 =	vor.u32 v17, v48  }
0xf8: {  	v42 =	vmul.f32 v42, v34;
	v63 =	vmul.f32 v44, v30;
	v39 =	vadd.f32 v41, v39  }
0xf9: {  	v51 =	vld.idx.msk [tilespmem:v51+s30+$0x0], $0xffff;
	v55 =	vmul.f32 v45, v34;
	v44 =	vmul.f32 v44, v34;
	v60 =	vsub.f32 v52, v53  }
0xfa: {  	v59 =	vor.u32 v20, v48;
	[tilespmem:v50+s6+$0x0] =	vst.idx.msk $0xffff, v39;
	v50 =	vadd.f32 v43, v42;
	v42 =	vld.idx.msk [tilespmem:v54+s30+$0x0], $0xffff  }
0xfb: {  	[tilespmem:v47+s6+$0x0] =	vst.idx.msk $0xffff, v60;
	v60 =	vmul.f32 v45, v30;
	v47 =	vor.u32 v7, v38  }
0xfc: {  	v58 =	vsub.f32 v63, v55;
	v43 =	vld.idx.msk [tilespmem:v57+s30+$0x0], $0xffff;
	[tilespmem:v61+s6+$0x0] =	vst.idx.msk $0xffff, v50;
	v61 =	vor.u32 v6, v38  }
0xfd: {  	v39 =	vadd.f32 v60, v44;
	v44 =	vld.idx.msk [tilespmem:v56+s30+$0x0], $0xffff;
	v56 =	vor.u32 v27, v40  }
0xfe: {  	v41 =	vor.u32 v22, v46;
	[tilespmem:v62+s6+$0x0] =	vst.idx.msk $0xffff, v58;
	v62 =	vmul.f32 v51, v30  }
0xff: {  	v58 =	vmul.f32 v51, v34;
	v60 =	vor.u32 v31, v40;
	v63 =	vmul.f32 v42, v34  }
0x100: {  	[tilespmem:v59+s6+$0x0] =	vst.idx.msk $0xffff, v39;
	v42 =	vmul.f32 v42, v30;
	v59 =	vor.u32 v23, v48;
	v47 =	vld.idx.msk [tilespmem:v47+s30+$0x0], $0xffff  }
0x101: {  	v38 =	vor.u32 v8, v38;
	v57 =	vsub.f32 v62, v63;
	v39 =	vld.idx.msk [tilespmem:v61+s30+$0x0], $0xffff  }
0x102: {  	v40 =	vor.u32 v35, v40;
	v61 =	vadd.f32 v42, v58;
	v63 =	vmul.f32 v43, v34;
	v56 =	vld.idx.msk [tilespmem:v56+s30+$0x0], $0xffff  }
0x103: {  	v62 =	vmul.f32 v44, v30;
	[tilespmem:v41+s6+$0x0] =	vst.idx.msk $0xffff, v57;
	v57 =	vor.u32 v25, v46  }
0x104: {  	v43 =	vmul.f32 v43, v30;
	v58 =	vor.u32 v26, v48;
	v44 =	vmul.f32 v44, v34  }
0x105: {  	[tilespmem:v59+s6+$0x0] =	vst.idx.msk $0xffff, v61;
	v59 =	vld.idx.msk [tilespmem:v60+s30+$0x0], $0xffff;
	v42 =	vsub.f32 v62, v63  }
0x106: {  	v38 =	vld.idx.msk [tilespmem:v38+s30+$0x0], $0xffff;
	v43 =	vadd.f32 v43, v44;
	v60 =	vor.u32 v28, v46;
	v54 =	vmul.f32 v47, v30  }
0x107: {  	v40 =	vld.idx.msk [tilespmem:v40+s30+$0x0], $0xffff;
	v63 =	vor.u32 v29, v48;
	v61 =	vmul.f32 v39, v30;
	v62 =	vmul.f32 v56, v34  }
0x108: {  	v39 =	vmul.f32 v39, v34;
	v52 =	vmul.f32 v56, v30;
	[tilespmem:v57+s6+$0x0] =	vst.idx.msk $0xffff, v42  }
0x109: {  	v56 =	vor.u32 v32, v46;
	[tilespmem:v58+s6+$0x0] =	vst.idx.msk $0xffff, v43;
	v53 =	vsub.f32 v61, v62  }
0x10a: {  	v39 =	vadd.f32 v52, v39;
	v55 =	vmul.f32 v59, v34;
	v41 =	vmul.f32 v59, v30  }
0x10b: {  	v58 =	vor.u32 v33, v48;
	v59 =	vmul.f32 v47, v34;
	v61 =	vmul.f32 v38, v30  }
0x10c: {  	v62 =	vmul.f32 v40, v34;
	[tilespmem:v60+s6+$0x0] =	vst.idx.msk $0xffff, v53;
	v60 =	vor.u32 v36, v46  }
0x10d: {  	p2 =	por p1, p1;
	v48 =	vor.u32 v37, v48;
	v40 =	vmul.f32 v40, v30;
	v57 =	vsub.f32 v54, v55  }
.Ltmp4:
0x10e: {  	v38 =	vmul.f32 v38, v34;
	v41 =	vadd.f32 v41, v59;
	[tilespmem:v63+s6+$0x0] =	vst.idx.msk $0xffff, v39;
	(pc) =	sbr.rel @p2 .LBB2_12-.Ltmp4, $4  }
0x10f: {  	v63 =	vsub.f32 v61, v62;
	[tilespmem:v56+s6+$0x0] =	vst.idx.msk $0xffff, v57  }
0x110: {  	v38 =	vadd.f32 v40, v38;
	[tilespmem:v58+s6+$0x0] =	vst.idx.msk $0xffff, v41  }
0x111: {  	[tilespmem:v60+s6+$0x0] =	vst.idx.msk $0xffff, v63  }
0x112: {  	p1 =	por $0x0, $0x0;
	s14 =	simm.s32 $0x1;
	[tilespmem:v48+s6+$0x0] =	vst.idx.msk $0xffff, v38  }
0x113: {  	s13 =	sadd.s32 $0x1, s13  }
0x114: {  	p1 =	sne.s32 s13, $0x20  }
.Ltmp5:
0x115: {  	_ = 	snop;
	(pc) =	sbr.rel @p1 .LBB2_11-.Ltmp5, $1  }
0x116: {  	_ =	sdelay $0x3  }
0x117: {  	s13 =	sshll.u32 s26, $0xA  }
0x118: {  	s13 =	sadd.s32 s9, s13  }
0x119: {  	s13 =	sadd.s32 $0x1000, s13  }
0x11a: {  	[hbm4b:s13+s10] =	stream.linear.scatter [tilespmem:s6], [sflag:$0x5], $0x4000, $0x38;
	[tilespmem:$0x18C00] =	vst v63  }
0x11b: {  	s14 =	simm.s32 @!p0 $0x0;
	s13 =	sadd.s32 @!p0 s25, s19;
	s25 =	simm.s32 @!p0 $0x8000  }
0x11c: {  	[tilespmem:s25], [sflag:$0x3] =	stream.linear.gather @!p0 [hbm4b:s13+s14], $0x4000, $0x38;
	[tilespmem:$0x18C00] =	vst v63  }
0x11d: {  	_ =	swait.ge [sflag:s7], $0x4000  }
0x11e: {  	[sflag:s7] =	ssyncset.done $0x0  }
0x11f: {  	[sflag:s7] =	ssyncadd.s32 $0xFFFFC000  }
0x120: {  	_ =	swait.ge [sflag:s8], $0x4000  }
0x121: {  	[sflag:s8] =	ssyncset.done $0x0  }
0x122: {  	s13 =	simm.s32 $0x0;
	[sflag:s8] =	ssyncadd.s32 $0xFFFFC000  }
.LBB2_15:
0x123: {  	s14 =	sshll.u32 s13, $0x4  }
0x124: {  	v1 =	vld [tilespmem:s14+$0x18000]  }
0x125: {  	v9 =	vld [tilespmem:s14+$0x18200]  }
0x126: {  	v12 =	vld [tilespmem:s14+$0x18400]  }
0x127: {  	v13 =	vld [tilespmem:s14+$0x18600];
	_ =	sdelay $0x2  }
0x128: {  	v0 =	vand.u32 $0x7F, v1  }
0x129: {  	v1 =	vshll.u32 v1, $0x3;
	v10 =	vshll.u32 v9, $0x3;
	v9 =	vand.u32 $0x7F, v9  }
0x12a: {  	v11 =	vand.u32 $0x7F, v12;
	v12 =	vshll.u32 v12, $0x3;
	v14 =	vshll.u32 v13, $0x3  }
0x12b: {  	v13 =	vand.u32 $0x7F, v13;
	v1 =	vand.u32 $0xFFFFFC00, v1;
	v2 =	vor.u32 $0x80, v0  }
0x12c: {  	v3 =	vor.u32 $0x100, v0;
	v4 =	vor.u32 $0x180, v0;
	v5 =	vor.u32 $0x200, v0  }
0x12d: {  	v6 =	vor.u32 $0x280, v0;
	v7 =	vor.u32 $0x300, v0;
	v8 =	vor.u32 $0x380, v0  }
0x12e: {  	v10 =	vand.u32 $0xFFFFFC00, v10;
	v12 =	vand.u32 $0xFFFFFC00, v12;
	v14 =	vand.u32 $0xFFFFFC00, v14  }
0x12f: {  	v15 =	vor.u32 $0x80, v9;
	v16 =	vor.u32 $0x80, v11;
	v17 =	vor.u32 $0x80, v13  }
0x130: {  	v18 =	vor.u32 $0x100, v9;
	v19 =	vor.u32 $0x100, v11;
	v20 =	vor.u32 $0x100, v13  }
0x131: {  	v21 =	vor.u32 $0x180, v9;
	v22 =	vor.u32 $0x180, v11;
	v23 =	vor.u32 $0x180, v13  }
0x132: {  	v24 =	vor.u32 $0x200, v9;
	v25 =	vor.u32 $0x200, v11;
	v26 =	vor.u32 $0x200, v13  }
0x133: {  	v27 =	vor.u32 $0x280, v9;
	v28 =	vor.u32 $0x280, v11;
	v29 =	vor.u32 $0x280, v13  }
0x134: {  	v30 =	vld [tilespmem:s14+$0x18800];
	v31 =	vor.u32 $0x300, v9;
	v32 =	vor.u32 $0x300, v11;
	v33 =	vor.u32 $0x300, v13  }
0x135: {  	p0 =	por $0x1, $0x1;
	v34 =	vld [tilespmem:s14+$0x18A00];
	s14 =	simm.s32 $0x0;
	v35 =	vor.u32 $0x380, v9;
	v36 =	vor.u32 $0x380, v11;
	v37 =	vor.u32 $0x380, v13  }
.LBB2_16:
0x136: {  	s14 =	sshll.u32 s14, $0xD  }
0x137: {  	v38 =	vadd.s32 s14, v1  }
0x138: {  	v40 =	vadd.s32 s14, v10;
	v39 =	vor.u32 v0, v38  }
0x139: {  	v41 =	vor.u32 v9, v40;
	_ =	sdelay $0x3  }
0x13a: {  	v42 =	vor.u32 v2, v38;
	v39 =	vld.idx.msk [tilespmem:v39+s31+$0x0], $0xffff  }
0x13b: {  	v43 =	vor.u32 v15, v40;
	v41 =	vld.idx.msk [tilespmem:v41+s31+$0x0], $0xffff  }
0x13c: {  	v44 =	vor.u32 v3, v38  }
0x13d: {  	v45 =	vor.u32 v18, v40  }
0x13e: {  	v46 =	vadd.s32 s14, v12  }
0x13f: {  	v49 =	vor.u32 v11, v46;
	v42 =	vld.idx.msk [tilespmem:v42+s31+$0x0], $0xffff  }
0x140: {  	v51 =	vor.u32 v4, v38;
	v43 =	vld.idx.msk [tilespmem:v43+s31+$0x0], $0xffff;
	v47 =	vmul.f32 v39, v30;
	v48 =	vmul.f32 v41, v34  }
0x141: {  	v54 =	vor.u32 v21, v40;
	v62 =	vor.u32 v19, v46;
	v56 =	vor.u32 v5, v38;
	v44 =	vld.idx.msk [tilespmem:v44+s31+$0x0], $0xffff  }
0x142: {  	v57 =	vor.u32 v24, v40;
	v45 =	vld.idx.msk [tilespmem:v45+s31+$0x0], $0xffff;
	v47 =	vsub.f32 v47, v48;
	v48 =	vadd.s32 s14, v14  }
0x143: {  	v41 =	vmul.f32 v41, v30;
	v39 =	vmul.f32 v39, v34;
	v50 =	vor.u32 v13, v48  }
0x144: {  	v52 =	vmul.f32 v42, v30;
	[tilespmem:v49+s2+$0x0] =	vst.idx.msk $0xffff, v47;
	v47 =	vor.u32 v16, v46  }
0x145: {  	v53 =	vmul.f32 v43, v34;
	v43 =	vmul.f32 v43, v30;
	v61 =	vor.u32 v17, v48  }
0x146: {  	v42 =	vmul.f32 v42, v34;
	v63 =	vmul.f32 v44, v30;
	v39 =	vadd.f32 v41, v39  }
0x147: {  	v51 =	vld.idx.msk [tilespmem:v51+s31+$0x0], $0xffff;
	v55 =	vmul.f32 v45, v34;
	v44 =	vmul.f32 v44, v34;
	v60 =	vsub.f32 v52, v53  }
0x148: {  	v59 =	vor.u32 v20, v48;
	[tilespmem:v50+s2+$0x0] =	vst.idx.msk $0xffff, v39;
	v50 =	vadd.f32 v43, v42;
	v42 =	vld.idx.msk [tilespmem:v54+s31+$0x0], $0xffff  }
0x149: {  	[tilespmem:v47+s2+$0x0] =	vst.idx.msk $0xffff, v60;
	v60 =	vmul.f32 v45, v30;
	v47 =	vor.u32 v7, v38  }
0x14a: {  	v58 =	vsub.f32 v63, v55;
	v43 =	vld.idx.msk [tilespmem:v57+s31+$0x0], $0xffff;
	[tilespmem:v61+s2+$0x0] =	vst.idx.msk $0xffff, v50;
	v61 =	vor.u32 v6, v38  }
0x14b: {  	v39 =	vadd.f32 v60, v44;
	v44 =	vld.idx.msk [tilespmem:v56+s31+$0x0], $0xffff;
	v56 =	vor.u32 v27, v40  }
0x14c: {  	v41 =	vor.u32 v22, v46;
	[tilespmem:v62+s2+$0x0] =	vst.idx.msk $0xffff, v58;
	v62 =	vmul.f32 v51, v30  }
0x14d: {  	v58 =	vmul.f32 v51, v34;
	v60 =	vor.u32 v31, v40;
	v63 =	vmul.f32 v42, v34  }
0x14e: {  	[tilespmem:v59+s2+$0x0] =	vst.idx.msk $0xffff, v39;
	v42 =	vmul.f32 v42, v30;
	v59 =	vor.u32 v23, v48;
	v47 =	vld.idx.msk [tilespmem:v47+s31+$0x0], $0xffff  }
0x14f: {  	v38 =	vor.u32 v8, v38;
	v57 =	vsub.f32 v62, v63;
	v39 =	vld.idx.msk [tilespmem:v61+s31+$0x0], $0xffff  }
0x150: {  	v40 =	vor.u32 v35, v40;
	v61 =	vadd.f32 v42, v58;
	v63 =	vmul.f32 v43, v34;
	v56 =	vld.idx.msk [tilespmem:v56+s31+$0x0], $0xffff  }
0x151: {  	v62 =	vmul.f32 v44, v30;
	[tilespmem:v41+s2+$0x0] =	vst.idx.msk $0xffff, v57;
	v57 =	vor.u32 v25, v46  }
0x152: {  	v43 =	vmul.f32 v43, v30;
	v58 =	vor.u32 v26, v48;
	v44 =	vmul.f32 v44, v34  }
0x153: {  	[tilespmem:v59+s2+$0x0] =	vst.idx.msk $0xffff, v61;
	v59 =	vld.idx.msk [tilespmem:v60+s31+$0x0], $0xffff;
	v42 =	vsub.f32 v62, v63  }
0x154: {  	v38 =	vld.idx.msk [tilespmem:v38+s31+$0x0], $0xffff;
	v43 =	vadd.f32 v43, v44;
	v60 =	vor.u32 v28, v46;
	v54 =	vmul.f32 v47, v30  }
0x155: {  	v40 =	vld.idx.msk [tilespmem:v40+s31+$0x0], $0xffff;
	v63 =	vor.u32 v29, v48;
	v61 =	vmul.f32 v39, v30;
	v62 =	vmul.f32 v56, v34  }
0x156: {  	v39 =	vmul.f32 v39, v34;
	v52 =	vmul.f32 v56, v30;
	[tilespmem:v57+s2+$0x0] =	vst.idx.msk $0xffff, v42  }
0x157: {  	v56 =	vor.u32 v32, v46;
	[tilespmem:v58+s2+$0x0] =	vst.idx.msk $0xffff, v43;
	v53 =	vsub.f32 v61, v62  }
0x158: {  	v39 =	vadd.f32 v52, v39;
	v55 =	vmul.f32 v59, v34;
	v41 =	vmul.f32 v59, v30  }
0x159: {  	v58 =	vor.u32 v33, v48;
	v59 =	vmul.f32 v47, v34;
	v61 =	vmul.f32 v38, v30  }
0x15a: {  	v62 =	vmul.f32 v40, v34;
	[tilespmem:v60+s2+$0x0] =	vst.idx.msk $0xffff, v53;
	v60 =	vor.u32 v36, v46  }
0x15b: {  	p1 =	por p0, p0;
	v48 =	vor.u32 v37, v48;
	v40 =	vmul.f32 v40, v30;
	v57 =	vsub.f32 v54, v55  }
.Ltmp6:
0x15c: {  	v38 =	vmul.f32 v38, v34;
	v41 =	vadd.f32 v41, v59;
	[tilespmem:v63+s2+$0x0] =	vst.idx.msk $0xffff, v39;
	(pc) =	sbr.rel @p1 .LBB2_16-.Ltmp6, $4  }
0x15d: {  	v63 =	vsub.f32 v61, v62;
	[tilespmem:v56+s2+$0x0] =	vst.idx.msk $0xffff, v57  }
0x15e: {  	v38 =	vadd.f32 v40, v38;
	[tilespmem:v58+s2+$0x0] =	vst.idx.msk $0xffff, v41  }
0x15f: {  	[tilespmem:v60+s2+$0x0] =	vst.idx.msk $0xffff, v63  }
0x160: {  	p0 =	por $0x0, $0x0;
	s14 =	simm.s32 $0x1;
	[tilespmem:v48+s2+$0x0] =	vst.idx.msk $0xffff, v38  }
0x161: {  	s13 =	sadd.s32 $0x1, s13  }
0x162: {  	p0 =	sne.s32 s13, $0x20  }
.Ltmp7:
0x163: {  	_ = 	snop;
	(pc) =	sbr.rel @p0 .LBB2_15-.Ltmp7, $1  }
0x164: {  	_ =	sdelay $0x3  }
0x165: {  	s23 =	sadd.s32 $0x1, s23  }
0x166: {  	p0 =	sne.s32 s23, $0x4  }
.Ltmp8:
0x167: {  	_ = 	snop;
	(pc) =	sbr.rel @p0 .LBB2_2-.Ltmp8, $3  }
0x168: {  	_ =	sdelay $0x1  }
0x169: {  	s13 =	sadd.s32 s9, s24  }
0x16a: {  	[hbm4b:s13+s10] =	stream.linear.scatter [tilespmem:s2], [sflag:$0x6], $0x4000, $0x38;
	[tilespmem:$0x18C00] =	vst v63  }
0x16b: {  	s21 =	sadd.s32 $0x1, s21  }
0x16c: {  	_ =	swait.ge [sflag:s4], $0x4000;
	p0 =	sne.s32 s21, s20  }
.Ltmp9:
0x16d: {  	[sflag:s4] =	ssyncset.done $0x0;
	(pc) =	sbr.rel @p0 .LBB2_1-.Ltmp9, $4  }
0x16e: {  	[sflag:s4] =	ssyncadd.s32 $0xFFFFC000  }
0x16f: {  	_ =	swait.ge [sflag:s8], $0x4000  }
0x170: {  	[sflag:s8] =	ssyncset.done $0x0  }
0x171: {  	[sflag:s8] =	ssyncadd.s32 $0xFFFFC000  }
0x172: {  	_ =	sfence.sel $0x180000  }
0x173: {  	[bflag:$0x0] =	sbarrier.arrive $0xFFFF  }
0x174: {  	_ =	strace $0x90000047  }
0x175: {  	s0 =	stileid.u32;
	[bflag:$0x2] =	sbarrier.arrive $0xFFFF  }
0x176: {  	p0 =	sne.s32 s0, $0x0;
	s0 =	rddreg [dreg:$0x8]  }
0x177: {  	s0 =	sadd.s32 @!p0 $0x100000, s0  }
0x178: {  	[sflag:s0] =	ssyncadd.tile.s32 @!p0 $0x1;
	_ =	shalt  }
.Lfunc_end2:
_tile_overlayer_lowered:
.L_overlay_start_2:
0x179: {  	(tag) =	ssettag $0x2  }
0x17a: {  	s0 =	rddreg [dreg:$0x0];
	s2 =	stileid.u32  }
0x17b: {  	s1 =	rddreg [dreg:$0x1];
	p0 =	sne.s32 s2, $0x0  }
0x17c: {  	s3 =	rddreg [dreg:$0x2];
	[bflag:$0x3] =	sbarrier.arrive $0xFFFF;
	s2 =	simm.s32 @!p0 $0x1C07  }
0x17d: {  	[timem:s3], [sflag:s2] =	dma.local @!p0 [hbm:s0], s1  }
0x17e: {  	s0 =	simm.s32 @!p0 $0x7  }
0x17f: {  	_ =	swait.ge @!p0 [sflag:s0], s1  }
0x180: {  	s1 =	ssub.s32 @!p0 $0x0, s1;
	[sflag:s0] =	ssyncset.done @!p0 $0x0  }
0x181: {  	[sflag:s0] =	ssyncadd.s32 @!p0 s1  }
0x182: {  	[bflag:$0x3] =	sbarrier.arrive $0xFFFF  }
0x183: {  	_ =	shalt  }

</sc_bundles>
